<compile_context>
chip_gen: v7x
topology: tpu7x:2x2x1
jax: 0.10.2.dev20260603
libtpu: 0.0.44.dev20260713+nightly
codegen_flags: <defaults>
</compile_context>

<pallas_src>
import functools

import jax
import jax.numpy as jnp
from jax import lax
from jax.experimental import pallas as pl
from jax.experimental.pallas import tpu as pltpu
from jax.experimental.pallas import tpu_sc as plsc


def _softplus(x):
    return jnp.where(x > 20.0, x, jnp.log(1.0 + jnp.exp(jnp.minimum(x, 20.0))))


def _prep_tables(charge_p, mass_p, valence_p, seq_pos_table):

    def body(c_ref, m_ref, v_ref, s_ref, co_ref, mo_ref, vo_ref, so_ref):
        co_ref[...] = jnp.tanh(c_ref[...])
        mo_ref[...] = _softplus(m_ref[...]) + 0.5
        vo_ref[...] = _softplus(v_ref[...]) + 1.0
        so_ref[...] = s_ref[...] * 0.1

    return pl.pallas_call(
        body,
        out_shape=(
            jax.ShapeDtypeStruct(charge_p.shape, jnp.float32),
            jax.ShapeDtypeStruct(mass_p.shape, jnp.float32),
            jax.ShapeDtypeStruct(valence_p.shape, jnp.float32),
            jax.ShapeDtypeStruct(seq_pos_table.shape, jnp.float32),
        ),
    )(charge_p, mass_p, valence_p, seq_pos_table)


def _sc_lookup(ids_r, position_table, identity_table, c_act, m_act, v_act,
               seq_scaled, n_seq, n_cores, n_subcores):
    NW, nblk, T = ids_r.shape
    total = NW * nblk * T
    chunk = nblk * T
    PD = position_table.shape[1]
    ID = identity_table.shape[1]

    mesh = plsc.VectorSubcoreMesh(core_axis_name="c", subcore_axis_name="s",
                                  num_cores=n_cores, num_subcores=n_subcores)

    @functools.partial(
        pl.kernel,
        compiler_params=pltpu.CompilerParams(use_tc_tiling_on_sc=False),
        out_type=[
            jax.ShapeDtypeStruct((total, PD), jnp.float32),
            jax.ShapeDtypeStruct((total, ID), jnp.float32),
            jax.ShapeDtypeStruct((total,), jnp.float32),
            jax.ShapeDtypeStruct((total,), jnp.float32),
            jax.ShapeDtypeStruct((total,), jnp.float32),
        ],
        mesh=mesh,
        scratch_types=[
            pltpu.VMEM((nblk, T), jnp.int32),
            pltpu.VMEM((n_seq + T, PD), jnp.float32),
            pltpu.VMEM((T, PD), jnp.float32),
            pltpu.VMEM((T, ID), jnp.float32),
            pltpu.VMEM((chunk,), jnp.float32),
            pltpu.VMEM((chunk,), jnp.float32),
            pltpu.VMEM((chunk,), jnp.float32),
            pltpu.SemaphoreType.DMA,
            pltpu.SemaphoreType.DMA,
            pltpu.SemaphoreType.DMA,
            pltpu.SemaphoreType.DMA,
            pltpu.SemaphoreType.DMA,
        ],
    )
    def sc_kernel(ids_hbm, pos_hbm, id_hbm, c_hbm, m_hbm, v_hbm, seq_hbm,
                  pos_out, id_out, c_out, m_out, v_out,
                  idsv, seqext, posbuf, idbuf, cfull, mfull, vfull,
                  sem_p, sem_i, sem_c, sem_m, sem_v):
        wid = lax.axis_index("s") * n_cores + lax.axis_index("c")
        wbase = wid * chunk
        pltpu.sync_copy(ids_hbm.at[wid], idsv)
        pltpu.sync_copy(seq_hbm.at[pl.ds(0, n_seq)], seqext.at[pl.ds(0, n_seq)])
        pltpu.sync_copy(seq_hbm.at[pl.ds(0, T)], seqext.at[pl.ds(n_seq, T)])

        def blk(b, carry):
            idx = idsv.at[b]
            cp_p = pltpu.async_copy(pos_hbm.at[idx], posbuf, sem_p)
            cp_i = pltpu.async_copy(id_hbm.at[idx], idbuf, sem_i)
            cp_c = pltpu.async_copy(c_hbm.at[idx], cfull.at[pl.ds(b * T, T)], sem_c)
            cp_m = pltpu.async_copy(m_hbm.at[idx], mfull.at[pl.ds(b * T, T)], sem_m)
            cp_v = pltpu.async_copy(v_hbm.at[idx], vfull.at[pl.ds(b * T, T)], sem_v)
            cp_p.wait()
            base = lax.rem(b * T, n_seq)

            def row(i, c2):
                for j in range(PD // 16):
                    sl = pl.ds(j * 16, 16)
                    posbuf[i, sl] = posbuf[i, sl] + seqext[base + i, sl]
                return c2

            lax.fori_loop(0, T, row, 0)
            cp_i.wait()
            cp_c.wait()
            cp_m.wait()
            cp_v.wait()
            ob = wbase + b * T
            pltpu.sync_copy(posbuf, pos_out.at[pl.ds(ob, T)])
            pltpu.sync_copy(idbuf, id_out.at[pl.ds(ob, T)])
            return carry

        lax.fori_loop(0, nblk, blk, 0)
        pltpu.sync_copy(cfull, c_out.at[pl.ds(wbase, chunk)])
        pltpu.sync_copy(mfull, m_out.at[pl.ds(wbase, chunk)])
        pltpu.sync_copy(vfull, v_out.at[pl.ds(wbase, chunk)])

    return sc_kernel(ids_r, position_table, identity_table, c_act, m_act,
                     v_act, seq_scaled)


def kernel(token_ids, position_table, charge_table, mass_table, valence_table,
           identity_table, seq_pos_table):
    B, N = token_ids.shape
    V, PD = position_table.shape
    ID = identity_table.shape[1]
    total = B * N

    try:
        info = plsc.get_sparse_core_info()
        n_cores, n_subcores = info.num_cores, info.num_subcores
    except Exception:
        n_cores, n_subcores = 2, 16
    NW = n_cores * n_subcores
    T = 128
    chunk = total // NW
    nblk = chunk // T
    assert chunk * NW == total and nblk * T == chunk

    pad = (-V) % 128

    def as_rows(t):
        return jnp.pad(t.reshape(-1), (0, pad)).reshape(-1, 128)

    c_act, m_act, v_act, seq_scaled = _prep_tables(
        as_rows(charge_table), as_rows(mass_table), as_rows(valence_table),
        seq_pos_table)
    c_act = c_act.reshape(-1)
    m_act = m_act.reshape(-1)
    v_act = v_act.reshape(-1)

    ids_r = token_ids.reshape(NW, nblk, T)

    pos_out, id_out, c_out, m_out, v_out = _sc_lookup(
        ids_r, position_table, identity_table, c_act, m_act, v_act,
        seq_scaled, N, n_cores, n_subcores)

    charge = c_out.reshape(B, N, 1)
    position = pos_out.reshape(B, N, PD)
    momentum = jnp.zeros((B, N, PD), jnp.float32)
    mass = m_out.reshape(B, N, 1)
    valence = v_out.reshape(B, N, 1)
    identity = id_out.reshape(B, N, ID)
    return (charge, position, momentum, mass, valence, identity)

# --- scband reference (transcript-rebuilt; emitter-appended) ---
"""Pipeline reference for scband-atomic-embedding-14817637171730 (READ-ONLY COPY).

The authoritative reference and input builder live on the scoring server;
editing this copy changes nothing except your own understanding.
"""

import jax, jax.numpy as jnp
import numpy as np

VOCAB = 100000
POS_DIM = 64
ID_DIM = 128
MAX_SEQ = 512
B, N = 1024, 200


def setup_inputs(seed: int = 0) -> dict:
    key = jax.random.key(seed)
    ks = jax.random.split(key, 7)
    token_ids = jax.random.randint(ks[0], (B, N), 0, VOCAB, dtype=jnp.int64 if jax.config.jax_enable_x64 else jnp.int32).astype(jnp.int32)
    position_table = jax.random.normal(ks[1], (VOCAB, POS_DIM), dtype=jnp.float32) * 0.02
    charge_table = jax.random.normal(ks[2], (VOCAB, 1), dtype=jnp.float32) * 0.02
    mass_table = jax.random.normal(ks[3], (VOCAB, 1), dtype=jnp.float32) * 0.02
    valence_table = jax.random.normal(ks[4], (VOCAB, 1), dtype=jnp.float32) * 0.02
    identity_table = jax.random.normal(ks[5], (VOCAB, ID_DIM), dtype=jnp.float32) * 0.02
    seq_pos_table = jax.random.normal(ks[6], (MAX_SEQ, POS_DIM), dtype=jnp.float32) * 0.02
    return {
        "token_ids": token_ids,
        "position_table": position_table,
        "charge_table": charge_table,
        "mass_table": mass_table,
        "valence_table": valence_table,
        "identity_table": identity_table,
        "seq_pos_table": seq_pos_table,
    }


def reference(token_ids, position_table, charge_table, mass_table, valence_table, identity_table, seq_pos_table):
    b, n = token_ids.shape
    seq_pos = jnp.broadcast_to(jnp.arange(n)[None, :], (b, n))
    position = jnp.take(position_table, token_ids, axis=0) + 0.1 * jnp.take(seq_pos_table, seq_pos, axis=0)
    charge = jnp.tanh(jnp.take(charge_table, token_ids, axis=0))
    mass = jax.nn.softplus(jnp.take(mass_table, token_ids, axis=0)) + 0.5
    valence = jax.nn.softplus(jnp.take(valence_table, token_ids, axis=0)) + 1.0
    identity = jnp.take(identity_table, token_ids, axis=0)
    momentum = jnp.zeros_like(position)
    return (charge, position, momentum, mass, valence, identity)

if __name__ == "__main__":
    import jax
    _d = setup_inputs()
    print(jax.jit(kernel)(*tuple(_d.values())))

</pallas_src>

<mosaic_0001>
#map = affine_map<(d0, d1) -> (0, 0, 0)>
#map1 = affine_map<(d0, d1) -> (0, 0)>
#map2 = affine_map<(d0, d1) -> (0)>
module attributes {stable_mosaic.version = 14 : i64} {
  func.func @sc_kernel(%arg0: i32, %arg1: i32, %arg2: memref<32x50x128xi32, #tpu.memory_space<hbm>>, %arg3: memref<100000x64xf32, #tpu.memory_space<hbm>>, %arg4: memref<100000x128xf32, #tpu.memory_space<hbm>>, %arg5: memref<100096xf32, #tpu.memory_space<hbm>>, %arg6: memref<100096xf32, #tpu.memory_space<hbm>>, %arg7: memref<100096xf32, #tpu.memory_space<hbm>>, %arg8: memref<512x64xf32, #tpu.memory_space<hbm>>, %arg9: memref<204800x64xf32, #tpu.memory_space<hbm>>, %arg10: memref<204800x128xf32, #tpu.memory_space<hbm>>, %arg11: memref<204800xf32, #tpu.memory_space<hbm>>, %arg12: memref<204800xf32, #tpu.memory_space<hbm>>, %arg13: memref<204800xf32, #tpu.memory_space<hbm>>, %arg14: memref<50x128xi32, #tpu.memory_space<vmem>>, %arg15: memref<328x64xf32, #tpu.memory_space<vmem>>, %arg16: memref<128x64xf32, #tpu.memory_space<vmem>>, %arg17: memref<128x128xf32, #tpu.memory_space<vmem>>, %arg18: memref<6400xf32, #tpu.memory_space<vmem>>, %arg19: memref<6400xf32, #tpu.memory_space<vmem>>, %arg20: memref<6400xf32, #tpu.memory_space<vmem>>, %arg21: memref<!tpu.dma_semaphore, #tpu.memory_space<semaphore_mem>>, %arg22: memref<!tpu.dma_semaphore, #tpu.memory_space<semaphore_mem>>, %arg23: memref<!tpu.dma_semaphore, #tpu.memory_space<semaphore_mem>>, %arg24: memref<!tpu.dma_semaphore, #tpu.memory_space<semaphore_mem>>, %arg25: memref<!tpu.dma_semaphore, #tpu.memory_space<semaphore_mem>>) attributes {dimension_semantics = [#tpu.dimension_semantics<core_parallel>, #tpu.dimension_semantics<subcore_parallel>], iteration_bounds = array<i64: 2, 16>, scalar_prefetch = 0 : i64, scratch_operands = 12 : i64, tpu.core_type = #tpu.core_type<sc_vector_subcore>, window_params = [{transform_indices = #map}, {transform_indices = #map1}, {transform_indices = #map1}, {transform_indices = #map2}, {transform_indices = #map2}, {transform_indices = #map2}, {transform_indices = #map1}, {transform_indices = #map1}, {transform_indices = #map1}, {transform_indices = #map2}, {transform_indices = #map2}, {transform_indices = #map2}]} {
    %mul3A = arith.constant 2 : i32
    %mul3A_0 = arith.muli %arg1, %mul3A : i32
    %add3A = arith.addi %mul3A_0, %arg0 : i32
    %mul3A_1 = arith.constant 6400 : i32
    %mul3A_2 = arith.muli %add3A, %mul3A_1 : i32
    "tpu.region"() ({
      %run_scoped3A = tpu.sem_alloc : memref<!tpu.dma_semaphore, #tpu.memory_space<semaphore_mem>>
      %dma_start3A = arith.constant 0 : i32
      %dma_start3A_8 = arith.constant 0 : i32
      %dma_start3A_9 = tpu.memref_slice %arg2[%add3A, %dma_start3A, %dma_start3A_8] : memref<32x50x128xi32, #tpu.memory_space<hbm>> -> memref<1x50x128xi32, #tpu.memory_space<hbm>>
      %dma_start3A_10 = tpu.memref_squeeze %dma_start3A_9 : memref<1x50x128xi32, #tpu.memory_space<hbm>> -> memref<50x128xi32, #tpu.memory_space<hbm>>
      %dma_start3A_11 = arith.constant 0 : i32
      %dma_start3A_12 = arith.constant 0 : i32
      %dma_start3A_13 = tpu.memref_slice %arg2[%add3A, %dma_start3A_11, %dma_start3A_12] : memref<32x50x128xi32, #tpu.memory_space<hbm>> -> memref<1x50x128xi32, #tpu.memory_space<hbm>>
      %dma_start3A_14 = tpu.memref_squeeze %dma_start3A_13 : memref<1x50x128xi32, #tpu.memory_space<hbm>> -> memref<50x128xi32, #tpu.memory_space<hbm>>
      tpu.enqueue_dma source(%dma_start3A_14 : memref<50x128xi32, #tpu.memory_space<hbm>>) target(%arg14 : memref<50x128xi32, #tpu.memory_space<vmem>>) target_semaphore(%run_scoped3A : memref<!tpu.dma_semaphore, #tpu.memory_space<semaphore_mem>>)
      %dma_wait3A = arith.constant 0 : i32
      %dma_wait3A_15 = arith.constant 0 : i32
      %dma_wait3A_16 = tpu.memref_slice %arg2[%add3A, %dma_wait3A, %dma_wait3A_15] : memref<32x50x128xi32, #tpu.memory_space<hbm>> -> memref<1x50x128xi32, #tpu.memory_space<hbm>>
      %dma_wait3A_17 = tpu.memref_squeeze %dma_wait3A_16 : memref<1x50x128xi32, #tpu.memory_space<hbm>> -> memref<50x128xi32, #tpu.memory_space<hbm>>
      %dma_wait3A_18 = arith.constant 0 : i32
      %dma_wait3A_19 = arith.constant 0 : i32
      %dma_wait3A_20 = tpu.memref_slice %arg2[%add3A, %dma_wait3A_18, %dma_wait3A_19] : memref<32x50x128xi32, #tpu.memory_space<hbm>> -> memref<1x50x128xi32, #tpu.memory_space<hbm>>
      %dma_wait3A_21 = tpu.memref_squeeze %dma_wait3A_20 : memref<1x50x128xi32, #tpu.memory_space<hbm>> -> memref<50x128xi32, #tpu.memory_space<hbm>>
      tpu.wait_dma2 semaphore(%run_scoped3A : memref<!tpu.dma_semaphore, #tpu.memory_space<semaphore_mem>>) src(%dma_wait3A_21 : memref<50x128xi32, #tpu.memory_space<hbm>>) dst(%arg14 : memref<50x128xi32, #tpu.memory_space<vmem>>)
      tpu.yield
    }) : () -> ()
    "tpu.region"() ({
      %run_scoped3A = tpu.sem_alloc : memref<!tpu.dma_semaphore, #tpu.memory_space<semaphore_mem>>
      %dma_start3A = arith.constant 0 : i32
      %dma_start3A_8 = arith.constant 0 : i32
      %dma_start3A_9 = tpu.memref_slice %arg15[%dma_start3A, %dma_start3A_8] : memref<328x64xf32, #tpu.memory_space<vmem>> -> memref<200x64xf32, #tpu.memory_space<vmem>>
      %dma_start3A_10 = arith.constant 0 : i32
      %dma_start3A_11 = arith.constant 0 : i32
      %dma_start3A_12 = tpu.memref_slice %arg8[%dma_start3A_10, %dma_start3A_11] : memref<512x64xf32, #tpu.memory_space<hbm>> -> memref<200x64xf32, #tpu.memory_space<hbm>>
      %dma_start3A_13 = arith.constant 0 : i32
      %dma_start3A_14 = arith.constant 0 : i32
      %dma_start3A_15 = tpu.memref_slice %arg15[%dma_start3A_13, %dma_start3A_14] : memref<328x64xf32, #tpu.memory_space<vmem>> -> memref<200x64xf32, #tpu.memory_space<vmem>>
      %dma_start3A_16 = arith.constant 0 : i32
      %dma_start3A_17 = arith.constant 0 : i32
      %dma_start3A_18 = tpu.memref_slice %arg8[%dma_start3A_16, %dma_start3A_17] : memref<512x64xf32, #tpu.memory_space<hbm>> -> memref<200x64xf32, #tpu.memory_space<hbm>>
      tpu.enqueue_dma source(%dma_start3A_18 : memref<200x64xf32, #tpu.memory_space<hbm>>) target(%dma_start3A_15 : memref<200x64xf32, #tpu.memory_space<vmem>>) target_semaphore(%run_scoped3A : memref<!tpu.dma_semaphore, #tpu.memory_space<semaphore_mem>>)
      %dma_wait3A = arith.constant 0 : i32
      %dma_wait3A_19 = arith.constant 0 : i32
      %dma_wait3A_20 = tpu.memref_slice %arg15[%dma_wait3A, %dma_wait3A_19] : memref<328x64xf32, #tpu.memory_space<vmem>> -> memref<200x64xf32, #tpu.memory_space<vmem>>
      %dma_wait3A_21 = arith.constant 0 : i32
      %dma_wait3A_22 = arith.constant 0 : i32
      %dma_wait3A_23 = tpu.memref_slice %arg8[%dma_wait3A_21, %dma_wait3A_22] : memref<512x64xf32, #tpu.memory_space<hbm>> -> memref<200x64xf32, #tpu.memory_space<hbm>>
      %dma_wait3A_24 = arith.constant 0 : i32
      %dma_wait3A_25 = arith.constant 0 : i32
      %dma_wait3A_26 = tpu.memref_slice %arg15[%dma_wait3A_24, %dma_wait3A_25] : memref<328x64xf32, #tpu.memory_space<vmem>> -> memref<200x64xf32, #tpu.memory_space<vmem>>
      %dma_wait3A_27 = arith.constant 0 : i32
      %dma_wait3A_28 = arith.constant 0 : i32
      %dma_wait3A_29 = tpu.memref_slice %arg8[%dma_wait3A_27, %dma_wait3A_28] : memref<512x64xf32, #tpu.memory_space<hbm>> -> memref<200x64xf32, #tpu.memory_space<hbm>>
      tpu.wait_dma2 semaphore(%run_scoped3A : memref<!tpu.dma_semaphore, #tpu.memory_space<semaphore_mem>>) src(%dma_wait3A_29 : memref<200x64xf32, #tpu.memory_space<hbm>>) dst(%dma_wait3A_26 : memref<200x64xf32, #tpu.memory_space<vmem>>)
      tpu.yield
    }) : () -> ()
    "tpu.region"() ({
      %run_scoped3A = tpu.sem_alloc : memref<!tpu.dma_semaphore, #tpu.memory_space<semaphore_mem>>
      %dma_start3A = arith.constant 200 : i32
      %dma_start3A_8 = arith.constant 0 : i32
      %dma_start3A_9 = tpu.memref_slice %arg15[%dma_start3A, %dma_start3A_8] : memref<328x64xf32, #tpu.memory_space<vmem>> -> memref<128x64xf32, #tpu.memory_space<vmem>>
      %dma_start3A_10 = arith.constant 0 : i32
      %dma_start3A_11 = arith.constant 0 : i32
      %dma_start3A_12 = tpu.memref_slice %arg8[%dma_start3A_10, %dma_start3A_11] : memref<512x64xf32, #tpu.memory_space<hbm>> -> memref<128x64xf32, #tpu.memory_space<hbm>>
      %dma_start3A_13 = arith.constant 200 : i32
      %dma_start3A_14 = arith.constant 0 : i32
      %dma_start3A_15 = tpu.memref_slice %arg15[%dma_start3A_13, %dma_start3A_14] : memref<328x64xf32, #tpu.memory_space<vmem>> -> memref<128x64xf32, #tpu.memory_space<vmem>>
      %dma_start3A_16 = arith.constant 0 : i32
      %dma_start3A_17 = arith.constant 0 : i32
      %dma_start3A_18 = tpu.memref_slice %arg8[%dma_start3A_16, %dma_start3A_17] : memref<512x64xf32, #tpu.memory_space<hbm>> -> memref<128x64xf32, #tpu.memory_space<hbm>>
      tpu.enqueue_dma source(%dma_start3A_18 : memref<128x64xf32, #tpu.memory_space<hbm>>) target(%dma_start3A_15 : memref<128x64xf32, #tpu.memory_space<vmem>>) target_semaphore(%run_scoped3A : memref<!tpu.dma_semaphore, #tpu.memory_space<semaphore_mem>>)
      %dma_wait3A = arith.constant 200 : i32
      %dma_wait3A_19 = arith.constant 0 : i32
      %dma_wait3A_20 = tpu.memref_slice %arg15[%dma_wait3A, %dma_wait3A_19] : memref<328x64xf32, #tpu.memory_space<vmem>> -> memref<128x64xf32, #tpu.memory_space<vmem>>
      %dma_wait3A_21 = arith.constant 0 : i32
      %dma_wait3A_22 = arith.constant 0 : i32
      %dma_wait3A_23 = tpu.memref_slice %arg8[%dma_wait3A_21, %dma_wait3A_22] : memref<512x64xf32, #tpu.memory_space<hbm>> -> memref<128x64xf32, #tpu.memory_space<hbm>>
      %dma_wait3A_24 = arith.constant 200 : i32
      %dma_wait3A_25 = arith.constant 0 : i32
      %dma_wait3A_26 = tpu.memref_slice %arg15[%dma_wait3A_24, %dma_wait3A_25] : memref<328x64xf32, #tpu.memory_space<vmem>> -> memref<128x64xf32, #tpu.memory_space<vmem>>
      %dma_wait3A_27 = arith.constant 0 : i32
      %dma_wait3A_28 = arith.constant 0 : i32
      %dma_wait3A_29 = tpu.memref_slice %arg8[%dma_wait3A_27, %dma_wait3A_28] : memref<512x64xf32, #tpu.memory_space<hbm>> -> memref<128x64xf32, #tpu.memory_space<hbm>>
      tpu.wait_dma2 semaphore(%run_scoped3A : memref<!tpu.dma_semaphore, #tpu.memory_space<semaphore_mem>>) src(%dma_wait3A_29 : memref<128x64xf32, #tpu.memory_space<hbm>>) dst(%dma_wait3A_26 : memref<128x64xf32, #tpu.memory_space<vmem>>)
      tpu.yield
    }) : () -> ()
    %scan3A = arith.constant 0 : i32
    %scan3A_3 = arith.constant 0 : i32
    %scan3A_4 = arith.constant 50 : i32
    %scan3A_5 = arith.addi %scan3A_3, %scan3A_4 : i32
    %scan3A_6 = arith.constant 1 : i32
    scf.for %scan3A_8 = %scan3A_3 to %scan3A_5 step %scan3A_6  : i32 {
      %dma_start3A = arith.constant 0 : i32
      %dma_start3A_9 = tpu.memref_slice %arg14[%scan3A_8, %dma_start3A] : memref<50x128xi32, #tpu.memory_space<vmem>> -> memref<1x128xi32, #tpu.memory_space<vmem>>
      %dma_start3A_10 = tpu.memref_squeeze %dma_start3A_9 : memref<1x128xi32, #tpu.memory_space<vmem>> -> memref<128xi32, #tpu.memory_space<vmem>>
      %dma_start3A_11 = arith.constant 0 : i32
      %dma_start3A_12 = arith.constant 0 : i32
      %dma_start3A_13 = tpu.memref_slice %arg3[%dma_start3A_11, %dma_start3A_12] : memref<100000x64xf32, #tpu.memory_space<hbm>> -> memref<100000x64xf32, #tpu.memory_space<hbm>>
      tpu.enqueue_indirect_dma source(%dma_start3A_13 : memref<100000x64xf32, #tpu.memory_space<hbm>>) target(%arg16 : memref<128x64xf32, #tpu.memory_space<vmem>>) offsets(%dma_start3A_10 : memref<128xi32, #tpu.memory_space<vmem>>) semaphore(%arg21 : memref<!tpu.dma_semaphore, #tpu.memory_space<semaphore_mem>>)
      %dma_start3A_14 = arith.constant 0 : i32
      %dma_start3A_15 = tpu.memref_slice %arg14[%scan3A_8, %dma_start3A_14] : memref<50x128xi32, #tpu.memory_space<vmem>> -> memref<1x128xi32, #tpu.memory_space<vmem>>
      %dma_start3A_16 = tpu.memref_squeeze %dma_start3A_15 : memref<1x128xi32, #tpu.memory_space<vmem>> -> memref<128xi32, #tpu.memory_space<vmem>>
      %dma_start3A_17 = arith.constant 0 : i32
      %dma_start3A_18 = arith.constant 0 : i32
      %dma_start3A_19 = tpu.memref_slice %arg4[%dma_start3A_17, %dma_start3A_18] : memref<100000x128xf32, #tpu.memory_space<hbm>> -> memref<100000x128xf32, #tpu.memory_space<hbm>>
      tpu.enqueue_indirect_dma source(%dma_start3A_19 : memref<100000x128xf32, #tpu.memory_space<hbm>>) target(%arg17 : memref<128x128xf32, #tpu.memory_space<vmem>>) offsets(%dma_start3A_16 : memref<128xi32, #tpu.memory_space<vmem>>) semaphore(%arg22 : memref<!tpu.dma_semaphore, #tpu.memory_space<semaphore_mem>>)
      %mul3A_20 = arith.constant 128 : i32
      %mul3A_21 = arith.muli %scan3A_8, %mul3A_20 : i32
      %dma_start3A_22 = tpu.memref_slice %arg18[%mul3A_21] : memref<6400xf32, #tpu.memory_space<vmem>> -> memref<128xf32, #tpu.memory_space<vmem>>
      %dma_start3A_23 = arith.constant 0 : i32
      %dma_start3A_24 = tpu.memref_slice %arg14[%scan3A_8, %dma_start3A_23] : memref<50x128xi32, #tpu.memory_space<vmem>> -> memref<1x128xi32, #tpu.memory_space<vmem>>
      %dma_start3A_25 = tpu.memref_squeeze %dma_start3A_24 : memref<1x128xi32, #tpu.memory_space<vmem>> -> memref<128xi32, #tpu.memory_space<vmem>>
      %dma_start3A_26 = arith.constant 0 : i32
      %dma_start3A_27 = tpu.memref_slice %arg5[%dma_start3A_26] : memref<100096xf32, #tpu.memory_space<hbm>> -> memref<100096xf32, #tpu.memory_space<hbm>>
      tpu.enqueue_indirect_dma source(%dma_start3A_27 : memref<100096xf32, #tpu.memory_space<hbm>>) target(%dma_start3A_22 : memref<128xf32, #tpu.memory_space<vmem>>) offsets(%dma_start3A_25 : memref<128xi32, #tpu.memory_space<vmem>>) semaphore(%arg23 : memref<!tpu.dma_semaphore, #tpu.memory_space<semaphore_mem>>)
      %mul3A_28 = arith.constant 128 : i32
      %mul3A_29 = arith.muli %scan3A_8, %mul3A_28 : i32
      %dma_start3A_30 = tpu.memref_slice %arg19[%mul3A_29] : memref<6400xf32, #tpu.memory_space<vmem>> -> memref<128xf32, #tpu.memory_space<vmem>>
      %dma_start3A_31 = arith.constant 0 : i32
      %dma_start3A_32 = tpu.memref_slice %arg14[%scan3A_8, %dma_start3A_31] : memref<50x128xi32, #tpu.memory_space<vmem>> -> memref<1x128xi32, #tpu.memory_space<vmem>>
      %dma_start3A_33 = tpu.memref_squeeze %dma_start3A_32 : memref<1x128xi32, #tpu.memory_space<vmem>> -> memref<128xi32, #tpu.memory_space<vmem>>
      %dma_start3A_34 = arith.constant 0 : i32
      %dma_start3A_35 = tpu.memref_slice %arg6[%dma_start3A_34] : memref<100096xf32, #tpu.memory_space<hbm>> -> memref<100096xf32, #tpu.memory_space<hbm>>
      tpu.enqueue_indirect_dma source(%dma_start3A_35 : memref<100096xf32, #tpu.memory_space<hbm>>) target(%dma_start3A_30 : memref<128xf32, #tpu.memory_space<vmem>>) offsets(%dma_start3A_33 : memref<128xi32, #tpu.memory_space<vmem>>) semaphore(%arg24 : memref<!tpu.dma_semaphore, #tpu.memory_space<semaphore_mem>>)
      %mul3A_36 = arith.constant 128 : i32
      %mul3A_37 = arith.muli %scan3A_8, %mul3A_36 : i32
      %dma_start3A_38 = tpu.memref_slice %arg20[%mul3A_37] : memref<6400xf32, #tpu.memory_space<vmem>> -> memref<128xf32, #tpu.memory_space<vmem>>
      %dma_start3A_39 = arith.constant 0 : i32
      %dma_start3A_40 = tpu.memref_slice %arg14[%scan3A_8, %dma_start3A_39] : memref<50x128xi32, #tpu.memory_space<vmem>> -> memref<1x128xi32, #tpu.memory_space<vmem>>
      %dma_start3A_41 = tpu.memref_squeeze %dma_start3A_40 : memref<1x128xi32, #tpu.memory_space<vmem>> -> memref<128xi32, #tpu.memory_space<vmem>>
      %dma_start3A_42 = arith.constant 0 : i32
      %dma_start3A_43 = tpu.memref_slice %arg7[%dma_start3A_42] : memref<100096xf32, #tpu.memory_space<hbm>> -> memref<100096xf32, #tpu.memory_space<hbm>>
      tpu.enqueue_indirect_dma source(%dma_start3A_43 : memref<100096xf32, #tpu.memory_space<hbm>>) target(%dma_start3A_38 : memref<128xf32, #tpu.memory_space<vmem>>) offsets(%dma_start3A_41 : memref<128xi32, #tpu.memory_space<vmem>>) semaphore(%arg25 : memref<!tpu.dma_semaphore, #tpu.memory_space<semaphore_mem>>)
      %dma_wait3A = arith.constant 0 : i32
      %dma_wait3A_44 = tpu.memref_slice %arg14[%scan3A_8, %dma_wait3A] : memref<50x128xi32, #tpu.memory_space<vmem>> -> memref<1x128xi32, #tpu.memory_space<vmem>>
      %dma_wait3A_45 = tpu.memref_squeeze %dma_wait3A_44 : memref<1x128xi32, #tpu.memory_space<vmem>> -> memref<128xi32, #tpu.memory_space<vmem>>
      %dma_wait3A_46 = arith.constant 0 : i32
      %dma_wait3A_47 = arith.constant 0 : i32
      %dma_wait3A_48 = tpu.memref_slice %arg3[%dma_wait3A_46, %dma_wait3A_47] : memref<100000x64xf32, #tpu.memory_space<hbm>> -> memref<100000x64xf32, #tpu.memory_space<hbm>>
      tpu.wait_indirect_dma semaphore(%arg21 : memref<!tpu.dma_semaphore, #tpu.memory_space<semaphore_mem>>) src(%dma_wait3A_48 : memref<100000x64xf32, #tpu.memory_space<hbm>>) dst(%arg16 : memref<128x64xf32, #tpu.memory_space<vmem>>)
      %mul3A_49 = arith.constant 128 : i32
      %mul3A_50 = arith.muli %scan3A_8, %mul3A_49 : i32
      %rem3A = arith.constant 200 : i32
      %rem3A_51 = arith.remsi %mul3A_50, %rem3A : i32
      %scan3A_52 = arith.constant 0 : i32
      %scan3A_53 = arith.constant 0 : i32
      %scan3A_54 = arith.constant 128 : i32
      %scan3A_55 = arith.addi %scan3A_53, %scan3A_54 : i32
      %scan3A_56 = arith.constant 1 : i32
      scf.for %scan3A_85 = %scan3A_53 to %scan3A_55 step %scan3A_56  : i32 {
        %get3A = arith.index_cast %scan3A_85 : i32 to index
        %get3A_86 = arith.constant 0 : index
        %get3A_87 = tpu.vector_load %arg16[%get3A, %get3A_86] {strides = array<i32>} : memref<128x64xf32, #tpu.memory_space<vmem>>, vector<1x16xf32>,
        %get3A_88 = vector.shape_cast %get3A_87 : vector<1x16xf32> to vector<16xf32>
        %add3A_89 = arith.addi %rem3A_51, %scan3A_85 : i32
        %get3A_90 = arith.index_cast %add3A_89 : i32 to index
        %get3A_91 = arith.constant 0 : index
        %get3A_92 = tpu.vector_load %arg15[%get3A_90, %get3A_91] {strides = array<i32>} : memref<328x64xf32, #tpu.memory_space<vmem>>, vector<1x16xf32>,
        %get3A_93 = vector.shape_cast %get3A_92 : vector<1x16xf32> to vector<16xf32>
        %add3A_94 = arith.addf %get3A_88, %get3A_93 : vector<16xf32>
        %swap3A = arith.index_cast %scan3A_85 : i32 to index
        %swap3A_95 = arith.constant 0 : index
        %swap3A_96 = tpu.vector_load %arg16[%swap3A, %swap3A_95] {strides = array<i32>} : memref<128x64xf32, #tpu.memory_space<vmem>>, vector<1x16xf32>,
        %swap3A_97 = vector.shape_cast %swap3A_96 : vector<1x16xf32> to vector<16xf32>
        %swap3A_98 = vector.shape_cast %add3A_94 : vector<16xf32> to vector<1x16xf32>
        tpu.vector_store %arg16[%swap3A, %swap3A_95], %swap3A_98 {strides = array<i32>} : memref<128x64xf32, #tpu.memory_space<vmem>>, vector<1x16xf32>,
        %get3A_99 = arith.index_cast %scan3A_85 : i32 to index
        %get3A_100 = arith.constant 16 : index
        %get3A_101 = tpu.vector_load %arg16[%get3A_99, %get3A_100] {strides = array<i32>} : memref<128x64xf32, #tpu.memory_space<vmem>>, vector<1x16xf32>,
        %get3A_102 = vector.shape_cast %get3A_101 : vector<1x16xf32> to vector<16xf32>
        %add3A_103 = arith.addi %rem3A_51, %scan3A_85 : i32
        %get3A_104 = arith.index_cast %add3A_103 : i32 to index
        %get3A_105 = arith.constant 16 : index
        %get3A_106 = tpu.vector_load %arg15[%get3A_104, %get3A_105] {strides = array<i32>} : memref<328x64xf32, #tpu.memory_space<vmem>>, vector<1x16xf32>,
        %get3A_107 = vector.shape_cast %get3A_106 : vector<1x16xf32> to vector<16xf32>
        %add3A_108 = arith.addf %get3A_102, %get3A_107 : vector<16xf32>
        %swap3A_109 = arith.index_cast %scan3A_85 : i32 to index
        %swap3A_110 = arith.constant 16 : index
        %swap3A_111 = tpu.vector_load %arg16[%swap3A_109, %swap3A_110] {strides = array<i32>} : memref<128x64xf32, #tpu.memory_space<vmem>>, vector<1x16xf32>,
        %swap3A_112 = vector.shape_cast %swap3A_111 : vector<1x16xf32> to vector<16xf32>
        %swap3A_113 = vector.shape_cast %add3A_108 : vector<16xf32> to vector<1x16xf32>
        tpu.vector_store %arg16[%swap3A_109, %swap3A_110], %swap3A_113 {strides = array<i32>} : memref<128x64xf32, #tpu.memory_space<vmem>>, vector<1x16xf32>,
        %get3A_114 = arith.index_cast %scan3A_85 : i32 to index
        %get3A_115 = arith.constant 32 : index
        %get3A_116 = tpu.vector_load %arg16[%get3A_114, %get3A_115] {strides = array<i32>} : memref<128x64xf32, #tpu.memory_space<vmem>>, vector<1x16xf32>,
        %get3A_117 = vector.shape_cast %get3A_116 : vector<1x16xf32> to vector<16xf32>
        %add3A_118 = arith.addi %rem3A_51, %scan3A_85 : i32
        %get3A_119 = arith.index_cast %add3A_118 : i32 to index
        %get3A_120 = arith.constant 32 : index
        %get3A_121 = tpu.vector_load %arg15[%get3A_119, %get3A_120] {strides = array<i32>} : memref<328x64xf32, #tpu.memory_space<vmem>>, vector<1x16xf32>,
        %get3A_122 = vector.shape_cast %get3A_121 : vector<1x16xf32> to vector<16xf32>
        %add3A_123 = arith.addf %get3A_117, %get3A_122 : vector<16xf32>
        %swap3A_124 = arith.index_cast %scan3A_85 : i32 to index
        %swap3A_125 = arith.constant 32 : index
        %swap3A_126 = tpu.vector_load %arg16[%swap3A_124, %swap3A_125] {strides = array<i32>} : memref<128x64xf32, #tpu.memory_space<vmem>>, vector<1x16xf32>,
        %swap3A_127 = vector.shape_cast %swap3A_126 : vector<1x16xf32> to vector<16xf32>
        %swap3A_128 = vector.shape_cast %add3A_123 : vector<16xf32> to vector<1x16xf32>
        tpu.vector_store %arg16[%swap3A_124, %swap3A_125], %swap3A_128 {strides = array<i32>} : memref<128x64xf32, #tpu.memory_space<vmem>>, vector<1x16xf32>,
        %get3A_129 = arith.index_cast %scan3A_85 : i32 to index
        %get3A_130 = arith.constant 48 : index
        %get3A_131 = tpu.vector_load %arg16[%get3A_129, %get3A_130] {strides = array<i32>} : memref<128x64xf32, #tpu.memory_space<vmem>>, vector<1x16xf32>,
        %get3A_132 = vector.shape_cast %get3A_131 : vector<1x16xf32> to vector<16xf32>
        %add3A_133 = arith.addi %rem3A_51, %scan3A_85 : i32
        %get3A_134 = arith.index_cast %add3A_133 : i32 to index
        %get3A_135 = arith.constant 48 : index
        %get3A_136 = tpu.vector_load %arg15[%get3A_134, %get3A_135] {strides = array<i32>} : memref<328x64xf32, #tpu.memory_space<vmem>>, vector<1x16xf32>,
        %get3A_137 = vector.shape_cast %get3A_136 : vector<1x16xf32> to vector<16xf32>
        %add3A_138 = arith.addf %get3A_132, %get3A_137 : vector<16xf32>
        %swap3A_139 = arith.index_cast %scan3A_85 : i32 to index
        %swap3A_140 = arith.constant 48 : index
        %swap3A_141 = tpu.vector_load %arg16[%swap3A_139, %swap3A_140] {strides = array<i32>} : memref<128x64xf32, #tpu.memory_space<vmem>>, vector<1x16xf32>,
        %swap3A_142 = vector.shape_cast %swap3A_141 : vector<1x16xf32> to vector<16xf32>
        %swap3A_143 = vector.shape_cast %add3A_138 : vector<16xf32> to vector<1x16xf32>
        tpu.vector_store %arg16[%swap3A_139, %swap3A_140], %swap3A_143 {strides = array<i32>} : memref<128x64xf32, #tpu.memory_space<vmem>>, vector<1x16xf32>,
      }
      %scan3A_57 = arith.constant 128 : i32
      %dma_wait3A_58 = arith.constant 0 : i32
      %dma_wait3A_59 = tpu.memref_slice %arg14[%scan3A_8, %dma_wait3A_58] : memref<50x128xi32, #tpu.memory_space<vmem>> -> memref<1x128xi32, #tpu.memory_space<vmem>>
      %dma_wait3A_60 = tpu.memref_squeeze %dma_wait3A_59 : memref<1x128xi32, #tpu.memory_space<vmem>> -> memref<128xi32, #tpu.memory_space<vmem>>
      %dma_wait3A_61 = arith.constant 0 : i32
      %dma_wait3A_62 = arith.constant 0 : i32
      %dma_wait3A_63 = tpu.memref_slice %arg4[%dma_wait3A_61, %dma_wait3A_62] : memref<100000x128xf32, #tpu.memory_space<hbm>> -> memref<100000x128xf32, #tpu.memory_space<hbm>>
      tpu.wait_indirect_dma semaphore(%arg22 : memref<!tpu.dma_semaphore, #tpu.memory_space<semaphore_mem>>) src(%dma_wait3A_63 : memref<100000x128xf32, #tpu.memory_space<hbm>>) dst(%arg17 : memref<128x128xf32, #tpu.memory_space<vmem>>)
      %dma_wait3A_64 = tpu.memref_slice %arg18[%mul3A_21] : memref<6400xf32, #tpu.memory_space<vmem>> -> memref<128xf32, #tpu.memory_space<vmem>>
      %dma_wait3A_65 = arith.constant 0 : i32
      %dma_wait3A_66 = tpu.memref_slice %arg14[%scan3A_8, %dma_wait3A_65] : memref<50x128xi32, #tpu.memory_space<vmem>> -> memref<1x128xi32, #tpu.memory_space<vmem>>
      %dma_wait3A_67 = tpu.memref_squeeze %dma_wait3A_66 : memref<1x128xi32, #tpu.memory_space<vmem>> -> memref<128xi32, #tpu.memory_space<vmem>>
      %dma_wait3A_68 = arith.constant 0 : i32
      %dma_wait3A_69 = tpu.memref_slice %arg5[%dma_wait3A_68] : memref<100096xf32, #tpu.memory_space<hbm>> -> memref<100096xf32, #tpu.memory_space<hbm>>
      tpu.wait_indirect_dma semaphore(%arg23 : memref<!tpu.dma_semaphore, #tpu.memory_space<semaphore_mem>>) src(%dma_wait3A_69 : memref<100096xf32, #tpu.memory_space<hbm>>) dst(%dma_wait3A_64 : memref<128xf32, #tpu.memory_space<vmem>>)
      %dma_wait3A_70 = tpu.memref_slice %arg19[%mul3A_29] : memref<6400xf32, #tpu.memory_space<vmem>> -> memref<128xf32, #tpu.memory_space<vmem>>
      %dma_wait3A_71 = arith.constant 0 : i32
      %dma_wait3A_72 = tpu.memref_slice %arg14[%scan3A_8, %dma_wait3A_71] : memref<50x128xi32, #tpu.memory_space<vmem>> -> memref<1x128xi32, #tpu.memory_space<vmem>>
      %dma_wait3A_73 = tpu.memref_squeeze %dma_wait3A_72 : memref<1x128xi32, #tpu.memory_space<vmem>> -> memref<128xi32, #tpu.memory_space<vmem>>
      %dma_wait3A_74 = arith.constant 0 : i32
      %dma_wait3A_75 = tpu.memref_slice %arg6[%dma_wait3A_74] : memref<100096xf32, #tpu.memory_space<hbm>> -> memref<100096xf32, #tpu.memory_space<hbm>>
      tpu.wait_indirect_dma semaphore(%arg24 : memref<!tpu.dma_semaphore, #tpu.memory_space<semaphore_mem>>) src(%dma_wait3A_75 : memref<100096xf32, #tpu.memory_space<hbm>>) dst(%dma_wait3A_70 : memref<128xf32, #tpu.memory_space<vmem>>)
      %dma_wait3A_76 = tpu.memref_slice %arg20[%mul3A_37] : memref<6400xf32, #tpu.memory_space<vmem>> -> memref<128xf32, #tpu.memory_space<vmem>>
      %dma_wait3A_77 = arith.constant 0 : i32
      %dma_wait3A_78 = tpu.memref_slice %arg14[%scan3A_8, %dma_wait3A_77] : memref<50x128xi32, #tpu.memory_space<vmem>> -> memref<1x128xi32, #tpu.memory_space<vmem>>
      %dma_wait3A_79 = tpu.memref_squeeze %dma_wait3A_78 : memref<1x128xi32, #tpu.memory_space<vmem>> -> memref<128xi32, #tpu.memory_space<vmem>>
      %dma_wait3A_80 = arith.constant 0 : i32
      %dma_wait3A_81 = tpu.memref_slice %arg7[%dma_wait3A_80] : memref<100096xf32, #tpu.memory_space<hbm>> -> memref<100096xf32, #tpu.memory_space<hbm>>
      tpu.wait_indirect_dma semaphore(%arg25 : memref<!tpu.dma_semaphore, #tpu.memory_space<semaphore_mem>>) src(%dma_wait3A_81 : memref<100096xf32, #tpu.memory_space<hbm>>) dst(%dma_wait3A_76 : memref<128xf32, #tpu.memory_space<vmem>>)
      %mul3A_82 = arith.constant 128 : i32
      %mul3A_83 = arith.muli %scan3A_8, %mul3A_82 : i32
      %add3A_84 = arith.addi %mul3A_2, %mul3A_83 : i32
      "tpu.region"() ({
        %run_scoped3A = tpu.sem_alloc : memref<!tpu.dma_semaphore, #tpu.memory_space<semaphore_mem>>
        %dma_start3A_85 = arith.constant 0 : i32
        %dma_start3A_86 = tpu.memref_slice %arg9[%add3A_84, %dma_start3A_85] : memref<204800x64xf32, #tpu.memory_space<hbm>> -> memref<128x64xf32, #tpu.memory_space<hbm>>
        %dma_start3A_87 = arith.constant 0 : i32
        %dma_start3A_88 = tpu.memref_slice %arg9[%add3A_84, %dma_start3A_87] : memref<204800x64xf32, #tpu.memory_space<hbm>> -> memref<128x64xf32, #tpu.memory_space<hbm>>
        tpu.enqueue_dma source(%arg16 : memref<128x64xf32, #tpu.memory_space<vmem>>) target(%dma_start3A_88 : memref<128x64xf32, #tpu.memory_space<hbm>>) target_semaphore(%run_scoped3A : memref<!tpu.dma_semaphore, #tpu.memory_space<semaphore_mem>>)
        %dma_wait3A_89 = arith.constant 0 : i32
        %dma_wait3A_90 = tpu.memref_slice %arg9[%add3A_84, %dma_wait3A_89] : memref<204800x64xf32, #tpu.memory_space<hbm>> -> memref<128x64xf32, #tpu.memory_space<hbm>>
        %dma_wait3A_91 = arith.constant 0 : i32
        %dma_wait3A_92 = tpu.memref_slice %arg9[%add3A_84, %dma_wait3A_91] : memref<204800x64xf32, #tpu.memory_space<hbm>> -> memref<128x64xf32, #tpu.memory_space<hbm>>
        tpu.wait_dma2 semaphore(%run_scoped3A : memref<!tpu.dma_semaphore, #tpu.memory_space<semaphore_mem>>) src(%arg16 : memref<128x64xf32, #tpu.memory_space<vmem>>) dst(%dma_wait3A_92 : memref<128x64xf32, #tpu.memory_space<hbm>>)
        tpu.yield
      }) : () -> ()
      "tpu.region"() ({
        %run_scoped3A = tpu.sem_alloc : memref<!tpu.dma_semaphore, #tpu.memory_space<semaphore_mem>>
        %dma_start3A_85 = arith.constant 0 : i32
        %dma_start3A_86 = tpu.memref_slice %arg10[%add3A_84, %dma_start3A_85] : memref<204800x128xf32, #tpu.memory_space<hbm>> -> memref<128x128xf32, #tpu.memory_space<hbm>>
        %dma_start3A_87 = arith.constant 0 : i32
        %dma_start3A_88 = tpu.memref_slice %arg10[%add3A_84, %dma_start3A_87] : memref<204800x128xf32, #tpu.memory_space<hbm>> -> memref<128x128xf32, #tpu.memory_space<hbm>>
        tpu.enqueue_dma source(%arg17 : memref<128x128xf32, #tpu.memory_space<vmem>>) target(%dma_start3A_88 : memref<128x128xf32, #tpu.memory_space<hbm>>) target_semaphore(%run_scoped3A : memref<!tpu.dma_semaphore, #tpu.memory_space<semaphore_mem>>)
        %dma_wait3A_89 = arith.constant 0 : i32
        %dma_wait3A_90 = tpu.memref_slice %arg10[%add3A_84, %dma_wait3A_89] : memref<204800x128xf32, #tpu.memory_space<hbm>> -> memref<128x128xf32, #tpu.memory_space<hbm>>
        %dma_wait3A_91 = arith.constant 0 : i32
        %dma_wait3A_92 = tpu.memref_slice %arg10[%add3A_84, %dma_wait3A_91] : memref<204800x128xf32, #tpu.memory_space<hbm>> -> memref<128x128xf32, #tpu.memory_space<hbm>>
        tpu.wait_dma2 semaphore(%run_scoped3A : memref<!tpu.dma_semaphore, #tpu.memory_space<semaphore_mem>>) src(%arg17 : memref<128x128xf32, #tpu.memory_space<vmem>>) dst(%dma_wait3A_92 : memref<128x128xf32, #tpu.memory_space<hbm>>)
        tpu.yield
      }) : () -> ()
    }
    %scan3A_7 = arith.constant 50 : i32
    "tpu.region"() ({
      %run_scoped3A = tpu.sem_alloc : memref<!tpu.dma_semaphore, #tpu.memory_space<semaphore_mem>>
      %dma_start3A = tpu.memref_slice %arg11[%mul3A_2] : memref<204800xf32, #tpu.memory_space<hbm>> -> memref<6400xf32, #tpu.memory_space<hbm>>
      %dma_start3A_8 = tpu.memref_slice %arg11[%mul3A_2] : memref<204800xf32, #tpu.memory_space<hbm>> -> memref<6400xf32, #tpu.memory_space<hbm>>
      tpu.enqueue_dma source(%arg18 : memref<6400xf32, #tpu.memory_space<vmem>>) target(%dma_start3A_8 : memref<6400xf32, #tpu.memory_space<hbm>>) target_semaphore(%run_scoped3A : memref<!tpu.dma_semaphore, #tpu.memory_space<semaphore_mem>>)
      %dma_wait3A = tpu.memref_slice %arg11[%mul3A_2] : memref<204800xf32, #tpu.memory_space<hbm>> -> memref<6400xf32, #tpu.memory_space<hbm>>
      %dma_wait3A_9 = tpu.memref_slice %arg11[%mul3A_2] : memref<204800xf32, #tpu.memory_space<hbm>> -> memref<6400xf32, #tpu.memory_space<hbm>>
      tpu.wait_dma2 semaphore(%run_scoped3A : memref<!tpu.dma_semaphore, #tpu.memory_space<semaphore_mem>>) src(%arg18 : memref<6400xf32, #tpu.memory_space<vmem>>) dst(%dma_wait3A_9 : memref<6400xf32, #tpu.memory_space<hbm>>)
      tpu.yield
    }) : () -> ()
    "tpu.region"() ({
      %run_scoped3A = tpu.sem_alloc : memref<!tpu.dma_semaphore, #tpu.memory_space<semaphore_mem>>
      %dma_start3A = tpu.memref_slice %arg12[%mul3A_2] : memref<204800xf32, #tpu.memory_space<hbm>> -> memref<6400xf32, #tpu.memory_space<hbm>>
      %dma_start3A_8 = tpu.memref_slice %arg12[%mul3A_2] : memref<204800xf32, #tpu.memory_space<hbm>> -> memref<6400xf32, #tpu.memory_space<hbm>>
      tpu.enqueue_dma source(%arg19 : memref<6400xf32, #tpu.memory_space<vmem>>) target(%dma_start3A_8 : memref<6400xf32, #tpu.memory_space<hbm>>) target_semaphore(%run_scoped3A : memref<!tpu.dma_semaphore, #tpu.memory_space<semaphore_mem>>)
      %dma_wait3A = tpu.memref_slice %arg12[%mul3A_2] : memref<204800xf32, #tpu.memory_space<hbm>> -> memref<6400xf32, #tpu.memory_space<hbm>>
      %dma_wait3A_9 = tpu.memref_slice %arg12[%mul3A_2] : memref<204800xf32, #tpu.memory_space<hbm>> -> memref<6400xf32, #tpu.memory_space<hbm>>
      tpu.wait_dma2 semaphore(%run_scoped3A : memref<!tpu.dma_semaphore, #tpu.memory_space<semaphore_mem>>) src(%arg19 : memref<6400xf32, #tpu.memory_space<vmem>>) dst(%dma_wait3A_9 : memref<6400xf32, #tpu.memory_space<hbm>>)
      tpu.yield
    }) : () -> ()
    "tpu.region"() ({
      %run_scoped3A = tpu.sem_alloc : memref<!tpu.dma_semaphore, #tpu.memory_space<semaphore_mem>>
      %dma_start3A = tpu.memref_slice %arg13[%mul3A_2] : memref<204800xf32, #tpu.memory_space<hbm>> -> memref<6400xf32, #tpu.memory_space<hbm>>
      %dma_start3A_8 = tpu.memref_slice %arg13[%mul3A_2] : memref<204800xf32, #tpu.memory_space<hbm>> -> memref<6400xf32, #tpu.memory_space<hbm>>
      tpu.enqueue_dma source(%arg20 : memref<6400xf32, #tpu.memory_space<vmem>>) target(%dma_start3A_8 : memref<6400xf32, #tpu.memory_space<hbm>>) target_semaphore(%run_scoped3A : memref<!tpu.dma_semaphore, #tpu.memory_space<semaphore_mem>>)
      %dma_wait3A = tpu.memref_slice %arg13[%mul3A_2] : memref<204800xf32, #tpu.memory_space<hbm>> -> memref<6400xf32, #tpu.memory_space<hbm>>
      %dma_wait3A_9 = tpu.memref_slice %arg13[%mul3A_2] : memref<204800xf32, #tpu.memory_space<hbm>> -> memref<6400xf32, #tpu.memory_space<hbm>>
      tpu.wait_dma2 semaphore(%run_scoped3A : memref<!tpu.dma_semaphore, #tpu.memory_space<semaphore_mem>>) src(%arg20 : memref<6400xf32, #tpu.memory_space<vmem>>) dst(%dma_wait3A_9 : memref<6400xf32, #tpu.memory_space<hbm>>)
      tpu.yield
    }) : () -> ()
    return
  }
}

module attributes {stable_mosaic.version = 14 : i64} {
  func.func @body(%arg0: memref<782x128xf32, #tpu.memory_space<vmem>>, %arg1: memref<782x128xf32, #tpu.memory_space<vmem>>, %arg2: memref<782x128xf32, #tpu.memory_space<vmem>>, %arg3: memref<512x64xf32, #tpu.memory_space<vmem>>, %arg4: memref<782x128xf32, #tpu.memory_space<vmem>>, %arg5: memref<782x128xf32, #tpu.memory_space<vmem>>, %arg6: memref<782x128xf32, #tpu.memory_space<vmem>>, %arg7: memref<512x64xf32, #tpu.memory_space<vmem>>) attributes {dimension_semantics = [], scalar_prefetch = 0 : i64, scratch_operands = 0 : i64, tpu.core_type = #tpu.core_type<tc>} {
    %get3A = arith.constant 0 : index
    %get3A_0 = arith.constant 0 : index
    %get3A_1 = vector.load %arg0[%get3A, %get3A_0] : memref<782x128xf32, #tpu.memory_space<vmem>>, vector<782x128xf32>
    %tanh3A = math.tanh %get3A_1 : vector<782x128xf32>
    %swap3A = arith.constant 0 : index
    %swap3A_2 = arith.constant 0 : index
    %swap3A_3 = vector.load %arg4[%swap3A, %swap3A_2] : memref<782x128xf32, #tpu.memory_space<vmem>>, vector<782x128xf32>
    tpu.vector_store %arg4[%swap3A, %swap3A_2], %tanh3A {strides = array<i32>} : memref<782x128xf32, #tpu.memory_space<vmem>>, vector<782x128xf32>,
    %get3A_4 = arith.constant 0 : index
    %get3A_5 = arith.constant 0 : index
    %get3A_6 = vector.load %arg1[%get3A_4, %get3A_5] : memref<782x128xf32, #tpu.memory_space<vmem>>, vector<782x128xf32>
    %gt3A = arith.constant 2.000000e+01 : f32
    %gt3A_7 = vector.broadcast %gt3A : f32 to vector<782x128xf32>
    %gt3A_8 = arith.cmpf ogt, %get3A_6, %gt3A_7 : vector<782x128xf32>
    %min3A = arith.constant 2.000000e+01 : f32
    %min3A_9 = vector.broadcast %min3A : f32 to vector<782x128xf32>
    %min3A_10 = arith.minimumf %get3A_6, %min3A_9 : vector<782x128xf32>
    %exp3A = math.exp %min3A_10 : vector<782x128xf32>
    %add3A = arith.constant 1.000000e+00 : f32
    %add3A_11 = vector.broadcast %add3A : f32 to vector<782x128xf32>
    %add3A_12 = arith.addf %add3A_11, %exp3A : vector<782x128xf32>
    %log3A = math.log %add3A_12 : vector<782x128xf32>
    %select_n3A = arith.select %gt3A_8, %get3A_6, %log3A : vector<782x128xi1>, vector<782x128xf32>
    %add3A_13 = arith.constant 5.000000e-01 : f32
    %add3A_14 = vector.broadcast %add3A_13 : f32 to vector<782x128xf32>
    %add3A_15 = arith.addf %select_n3A, %add3A_14 : vector<782x128xf32>
    %swap3A_16 = arith.constant 0 : index
    %swap3A_17 = arith.constant 0 : index
    %swap3A_18 = vector.load %arg5[%swap3A_16, %swap3A_17] : memref<782x128xf32, #tpu.memory_space<vmem>>, vector<782x128xf32>
    tpu.vector_store %arg5[%swap3A_16, %swap3A_17], %add3A_15 {strides = array<i32>} : memref<782x128xf32, #tpu.memory_space<vmem>>, vector<782x128xf32>,
    %get3A_19 = arith.constant 0 : index
    %get3A_20 = arith.constant 0 : index
    %get3A_21 = vector.load %arg2[%get3A_19, %get3A_20] : memref<782x128xf32, #tpu.memory_space<vmem>>, vector<782x128xf32>
    %gt3A_22 = arith.constant 2.000000e+01 : f32
    %gt3A_23 = vector.broadcast %gt3A_22 : f32 to vector<782x128xf32>
    %gt3A_24 = arith.cmpf ogt, %get3A_21, %gt3A_23 : vector<782x128xf32>
    %min3A_25 = arith.constant 2.000000e+01 : f32
    %min3A_26 = vector.broadcast %min3A_25 : f32 to vector<782x128xf32>
    %min3A_27 = arith.minimumf %get3A_21, %min3A_26 : vector<782x128xf32>
    %exp3A_28 = math.exp %min3A_27 : vector<782x128xf32>
    %add3A_29 = arith.constant 1.000000e+00 : f32
    %add3A_30 = vector.broadcast %add3A_29 : f32 to vector<782x128xf32>
    %add3A_31 = arith.addf %add3A_30, %exp3A_28 : vector<782x128xf32>
    %log3A_32 = math.log %add3A_31 : vector<782x128xf32>
    %select_n3A_33 = arith.select %gt3A_24, %get3A_21, %log3A_32 : vector<782x128xi1>, vector<782x128xf32>
    %add3A_34 = arith.constant 1.000000e+00 : f32
    %add3A_35 = vector.broadcast %add3A_34 : f32 to vector<782x128xf32>
    %add3A_36 = arith.addf %select_n3A_33, %add3A_35 : vector<782x128xf32>
    %swap3A_37 = arith.constant 0 : index
    %swap3A_38 = arith.constant 0 : index
    %swap3A_39 = vector.load %arg6[%swap3A_37, %swap3A_38] : memref<782x128xf32, #tpu.memory_space<vmem>>, vector<782x128xf32>
    tpu.vector_store %arg6[%swap3A_37, %swap3A_38], %add3A_36 {strides = array<i32>} : memref<782x128xf32, #tpu.memory_space<vmem>>, vector<782x128xf32>,
    %get3A_40 = arith.constant 0 : index
    %get3A_41 = arith.constant 0 : index
    %get3A_42 = vector.load %arg3[%get3A_40, %get3A_41] : memref<512x64xf32, #tpu.memory_space<vmem>>, vector<512x64xf32>
    %mul3A = arith.constant 1.000000e-01 : f32
    %mul3A_43 = vector.broadcast %mul3A : f32 to vector<512x64xf32>
    %mul3A_44 = arith.mulf %get3A_42, %mul3A_43 : vector<512x64xf32>
    %swap3A_45 = arith.constant 0 : index
    %swap3A_46 = arith.constant 0 : index
    %swap3A_47 = vector.load %arg7[%swap3A_45, %swap3A_46] : memref<512x64xf32, #tpu.memory_space<vmem>>, vector<512x64xf32>
    tpu.vector_store %arg7[%swap3A_45, %swap3A_46], %mul3A_44 {strides = array<i32>} : memref<512x64xf32, #tpu.memory_space<vmem>>, vector<512x64xf32>,
    return
  }
}

</mosaic_0001>

<sc_bundles>
// kernel: kernel.4.cloned.1.call-start
scs
__scs_entry_jumppad:
0x0: {  	(pc) =	sbr.rel $0x88, $3  }
0x1: {  	(tag) =	ssettag $0x0;
	lr =	simm.s32 $0x1  }
0x2: {  	[smem:$0x3F9A] =	sst lr;
	_ =	strace $0xD0000000  }
0x3: {  	_ = 	snop  }
0x4: {  	_ = 	snop  }
0x5: {  	_ = 	snop  }
0x6: {  	_ = 	snop  }
0x7: {  	_ = 	snop  }
__scs_overlays_trampoline_lowered:
0x8: {  	[smem:$0x3FA9] =	sst s0  }
0x9: {  	[smem:$0x3FAA] =	sst s1  }
0xa: {  	[smem:$0x3FAB] =	sst s2  }
0xb: {  	[smem:$0x3FAC] =	sst s3  }
0xc: {  	[smem:$0x3FAD] =	sst s4  }
0xd: {  	[smem:$0x3FAE] =	sst s5  }
0xe: {  	[smem:$0x3FAF] =	sst s6  }
0xf: {  	[smem:$0x3FB0] =	sst s7  }
0x10: {  	[smem:$0x3FB1] =	sst s8  }
0x11: {  	[smem:$0x3FB2] =	sst s9;
	s0 =	simm.s32 @!p0 $0x0  }
0x12: {  	s1 =	sld [smem:$0x3F98];
	s0 =	simm.s32 @p0 $0x1  }
0x13: {  	[smem:$0x3FB3] =	sst s0;
	s0 =	simm.s32 @!p1 $0x0  }
0x14: {  	s2 =	sld [smem:$0x3F97];
	s0 =	simm.s32 @p1 $0x1  }
0x15: {  	[smem:$0x3FB4] =	sst s0;
	s0 =	simm.s32 @!p2 $0x0  }
0x16: {  	s3 =	sld [smem:$0x3FDB];
	s0 =	simm.s32 @p2 $0x1  }
0x17: {  	s4 =	simm.s32 $0x1BF5;
	[smem:$0x3FB6] =	sst s0  }
0x18: {  	s0 =	sld [smem:$0x3F99];
	_ =	swait.ge [sflag:s4], $0x0  }
0x19: {  	s7 =	sld [smem:$0x3F9A]  }
0x1a: {  	s8 =	sadd.s32 $0xFFFFE003, lr  }
0x1b: {  	s9 =	sadd.s32 $0xFFFFFEF7, lr;
	s5 =	simm.s32 $0xFFFFFFFF;
	p2 =	slt.u32 s8, $0xFFFFF086  }
0x1c: {  	p1 =	slt.u32 s9, $0xF7A;
	s5 =	simm.s32 @!p2 $0x0  }
0x1d: {  	s5 =	simm.s32 @p1 $0x1;
	p0 =	seq.s32 s7, s2  }
0x1e: {  	s7 =	smul.u32 @!p0 $0xF7A, s2;
	p2 =	seq.s32 @!p0 s5, $0x0  }
0x1f: {  	s9 =	smul.u32 $0xF7A, s1;
	s8 =	simm.s32 @!p0 $0x1BF5;
	p2 =	por !p2, p0  }
0x20: {  	[sflag:s8] =	ssyncset.s32 @!p0 $0xFFFFF086;
	s6 =	sadd.s32 @!p0 s3, s7;
	s7 =	simm.s32 @!p0 $0x108  }
0x21: {  	s3 =	sadd.s32 s3, s9;
	s6 =	sadd.s32 @!p0 $0x88, s6;
	s7 =	simm.s32 @p2 $0x1082  }
0x22: {  	[simem:s7], [sflag:s8] =	dma.local @!p0 [hbm:s6], $0xF7A  }
0x23: {  	s9 =	sor.u32 $0xD0000000, s2;
	s6 =	simm.s32 $0x108;
	_ =	swait.ge @!p0 [sflag:s8], $0x0  }
0x24: {  	s3 =	sadd.s32 $0x88, s3;
	s6 =	simm.s32 @!p1 $0x1082;
	[sflag:s4] =	ssyncset.s32 $0xFFFFF086  }
0x25: {  	[simem:s6], [sflag:s4] =	dma.local [hbm:s3], $0xF7A  }
0x26: {  	[smem:$0x3F9A] =	sst s1;
	(tag) =	ssettag s2;
	_ =	strace s9  }
0x27: {  	s1 =	sld [smem:$0x3FAA]  }
0x28: {  	s2 =	sld [smem:$0x3FAB]  }
0x29: {  	s4 =	sld [smem:$0x3FAD]  }
0x2a: {  	p0 =	seq.s32 s5, $0x0;
	s5 =	sld [smem:$0x3FAE]  }
0x2b: {  	s6 =	sld [smem:$0x3FAF]  }
0x2c: {  	s7 =	sld [smem:$0x3FB0]  }
0x2d: {  	s3 =	simm.s32 $0x108;
	s8 =	sld [smem:$0x3FB1]  }
0x2e: {  	s3 =	simm.s32 @!p0 $0x1082;
	s9 =	sld [smem:$0x3FB2]  }
0x2f: {  	lr =	sadd.s32 s0, s3;
	s0 =	sld [smem:$0x3FA9]  }
0x30: {  	s3 =	sld [smem:$0x3FAC]  }
0x31: {  	[smem:$0x3FB5] =	sst s10  }
0x32: {  	s10 =	sld [smem:$0x3FB3];
	_ =	sdelay $0x3  }
0x33: {  	p0 =	seq.s32 s10, $0x1;
	s10 =	sld [smem:$0x3FB5];
	_ =	sdelay $0x3  }
0x34: {  	[smem:$0x3FB5] =	sst s10  }
0x35: {  	s10 =	sld [smem:$0x3FB4];
	_ =	sdelay $0x3  }
0x36: {  	p1 =	seq.s32 s10, $0x1;
	s10 =	sld [smem:$0x3FB5];
	_ =	sdelay $0x3  }
0x37: {  	[smem:$0x3FB5] =	sst s10  }
0x38: {  	s10 =	sld [smem:$0x3FB6]  }
0x39: {  	_ = 	snop;
	(pc) =	sbr.ind lr, $3  }
0x3a: {  	_ = 	snop  }
0x3b: {  	_ = 	snop  }
0x3c: {  	p2 =	seq.s32 s10, $0x1;
	s10 =	sld [smem:$0x3FB5]  }
0x3d: {  	_ =	shalt  }
0x3e: {  	_ =	shalt  }
0x3f: {  	_ =	shalt  }
0x40: {  	_ =	shalt  }
0x41: {  	_ =	shalt  }
0x42: {  	_ =	shalt  }
0x43: {  	_ =	shalt  }
0x44: {  	_ =	shalt  }
0x45: {  	_ =	shalt  }
0x46: {  	_ =	shalt  }
0x47: {  	_ =	shalt  }
0x48: {  	_ =	shalt  }
0x49: {  	_ =	shalt  }
0x4a: {  	_ =	shalt  }
0x4b: {  	_ =	shalt  }
0x4c: {  	_ =	shalt  }
0x4d: {  	_ =	shalt  }
0x4e: {  	_ =	shalt  }
0x4f: {  	_ =	shalt  }
0x50: {  	_ =	shalt  }
0x51: {  	_ =	shalt  }
0x52: {  	_ =	shalt  }
0x53: {  	_ =	shalt  }
0x54: {  	_ =	shalt  }
0x55: {  	_ =	shalt  }
0x56: {  	_ =	shalt  }
0x57: {  	_ =	shalt  }
0x58: {  	_ =	shalt  }
0x59: {  	_ =	shalt  }
0x5a: {  	_ =	shalt  }
0x5b: {  	_ =	shalt  }
0x5c: {  	_ =	shalt  }
0x5d: {  	_ =	shalt  }
0x5e: {  	_ =	shalt  }
0x5f: {  	_ =	shalt  }
0x60: {  	_ =	shalt  }
0x61: {  	_ =	shalt  }
0x62: {  	_ =	shalt  }
0x63: {  	_ =	shalt  }
0x64: {  	_ =	shalt  }
0x65: {  	_ =	shalt  }
0x66: {  	_ =	shalt  }
0x67: {  	_ =	shalt  }
0x68: {  	_ =	shalt  }
0x69: {  	_ =	shalt  }
0x6a: {  	_ =	shalt  }
0x6b: {  	_ =	shalt  }
0x6c: {  	_ =	shalt  }
0x6d: {  	_ =	shalt  }
0x6e: {  	_ =	shalt  }
0x6f: {  	_ =	shalt  }
0x70: {  	_ =	shalt  }
0x71: {  	_ =	shalt  }
0x72: {  	_ =	shalt  }
0x73: {  	_ =	shalt  }
0x74: {  	_ =	shalt  }
0x75: {  	_ =	shalt  }
0x76: {  	_ =	shalt  }
0x77: {  	_ =	shalt  }
0x78: {  	_ =	shalt  }
0x79: {  	_ =	shalt  }
0x7a: {  	_ =	shalt  }
0x7b: {  	_ =	shalt  }
0x7c: {  	_ =	shalt  }
0x7d: {  	_ =	shalt  }
0x7e: {  	_ =	shalt  }
0x7f: {  	_ =	shalt  }
0x80: {  	_ =	shalt  }
0x81: {  	_ =	shalt  }
0x82: {  	_ =	shalt  }
0x83: {  	_ =	shalt  }
0x84: {  	_ =	shalt  }
0x85: {  	_ =	shalt  }
0x86: {  	_ =	shalt  }
0x87: {  	_ =	shalt  }
.Lfunc_end0:
.L_simem_size_0:
called_computation.1_lowered:
.L_overlay_start_0:
0x88: {  	s2 =	sld [smem:$0x3FD9]  }
0x89: {  	s3 =	sld [smem:$0x3FFE];
	_ =	sdelay $0x1  }
0x8a: {  	s1 =	srdreg.scid  }
0x8b: {  	s0 =	sand.u32 $0x1, s1  }
0x8c: {  	s14 =	sshll.u32 s0, $0xA;
	s2 =	sadd.s32 s3, s2  }
0x8d: {  	s2 =	sadd.s32 s2, s14  }
0x8e: {  	[smem:$0x3FC1] =	sst s2  }
0x8f: {  	_ = 	snop  }
0x90: {  	s2 =	sld [smem:$0x3FD0];
	_ =	sdelay $0x2  }
0x91: {  	s4 =	simm.s32 $0xA;
	s5 =	simm.s32 $0x10;
	s15 =	sld [smem:$0x3FC4]  }
0x92: {  	[smem:s5], [sflag:s4] =	dma.local [hbm:s2], $0x1  }
0x93: {  	_ =	swait.eq [sflag:s4], $0x1  }
0x94: {  	s16 =	sld [smem:$0x10]  }
0x95: {  	s17 =	sld [smem:$0x11]  }
0x96: {  	s6 =	sld [smem:$0x12]  }
0x97: {  	s7 =	sld [smem:$0x13];
	[sflag:s4] =	ssyncset.done $0x0  }
0x98: {  	s8 =	sld [smem:$0x14];
	[sflag:s4] =	ssyncadd.s32 $0xFFFFFFFF  }
0x99: {  	s18 =	sld [smem:$0x15];
	(tm) =	ssettm $0x1  }
0x9a: {  	s9 =	sld [smem:$0x3FFB];
	_ =	sdelay $0x3  }
0x9b: {  	_ =	strace s9  }
0x9c: {  	s9 =	sld [smem:$0x3FFC];
	_ =	sdelay $0x3  }
0x9d: {  	_ =	strace s9  }
0x9e: {  	s9 =	sld [smem:$0x3FFD];
	_ =	sdelay $0x3  }
0x9f: {  	_ =	strace s9  }
0xa0: {  	_ =	strace $0x8FFFFFFF  }
0xa1: {  	s19 =	sld [smem:$0x3FDB];
	_ =	sdelay $0x1  }
0xa2: {  	s10 =	simm.s32 $_scs_section_size  }
0xa3: {  	s11 =	simm.s32 $_size__tile_overlayer_lowered;
	s12 =	simm.s32 $_tile_overlayer_lowered  }
0xa4: {  	s22 =	simm.s32 $0x1BFF;
	s21 =	sshll.u32 s12, $0x1;
	s9 =	sadd.s32 s10, s19  }
0xa5: {  	s13 =	simm.s32 $0x0;
	s20 =	sshll.u32 s11, $0x1;
	s11 =	sadd.s32 s21, s9  }
0xa6: {  	[timem:s13], [sflag:s22] =	dma.local [hbm:s11], s20  }
0xa7: {  	_ =	swait.ge [sflag:s22], s20  }
0xa8: {  	s10 =	ssub.s32 $0x0, s20;
	[sflag:s22] =	ssyncset.done $0x0  }
0xa9: {  	[sflag:s22] =	ssyncadd.s32 s10;
	_ =	sdelay $0x1  }
0xaa: {  	s23 =	simm.s32 $0x1B8B  }
0xab: {  	_ =	swait.ge [sflag:s23], $0x1  }
0xac: {  	[sflag:s23] =	ssyncset.done $0x0  }
0xad: {  	s25 =	simm.s32 $0x1B8E;
	s24 =	sld [smem:$0x3FFE];
	[sflag:s23] =	ssyncadd.s32 $0xFFFFFFFF  }
0xae: {  	s26 =	simm.s32 $execute0_lowered;
	[smem:$0x3FD2] =	sst s25  }
0xaf: {  	s11 =	sshll.u32 s26, $0x1;
	_ =	strace $0x80000046;
	[dreg:$0x1] =	wrdreg $0xFFFFFFFF  }
0xb0: {  	s28 =	simm.s32 $_size_execute0_lowered;
	s9 =	sadd.s32 s9, s11;
	[dreg:$0x0] =	wrdreg $0x0  }
0xb1: {  	s11 =	sshll.u32 s28, $0x1;
	[dreg:$0x2] =	wrdreg s9  }
0xb2: {  	[dreg:$0x3] =	wrdreg s11  }
0xb3: {  	[dreg:$0x4] =	wrdreg $0xC0  }
0xb4: {  	_ =	task [dreg:s13], $0x5FFFF  }
0xb5: {  	[dreg:$0x1] =	wrdreg $0xFFFFFFFF  }
0xb6: {  	[dreg:$0x0] =	wrdreg $0x60  }
0xb7: {  	[dreg:$0x2] =	wrdreg s8  }
0xb8: {  	[dreg:$0x3] =	wrdreg s6  }
0xb9: {  	[dreg:$0x4] =	wrdreg s15  }
0xba: {  	[dreg:$0x5] =	wrdreg s24  }
0xbb: {  	[dreg:$0x6] =	wrdreg s17  }
0xbc: {  	[dreg:$0x7] =	wrdreg s18  }
0xbd: {  	[dreg:$0x8] =	wrdreg s7  }
0xbe: {  	[dreg:$0x9] =	wrdreg s16  }
0xbf: {  	[dreg:$0xa] =	wrdreg $0x9  }
0xc0: {  	_ =	task.clear_ibuf [dreg:s13], $0xBFFFF;
	_ =	strace $0x90000046  }
0xc1: {  	s29 =	simm.s32 $0x9;
	_ =	strace $0x80000048  }
0xc2: {  	_ =	swait.ge [sflag:s29], $0x1  }
0xc3: {  	[sflag:s29] =	ssyncadd.s32 $0xFFFFFFFF  }
0xc4: {  	_ =	strace $0x90000048  }
0xc5: {  	_ =	sfence  }
0xc6: {  	s30 =	sld [smem:$0x0];
	_ =	sdelay $0x2  }
0xc7: {  	s31 =	sshll.u32 s1, $0xD;
	s1 =	sshrl.u32 s1, $0x2  }
0xc8: {  	s3 =	sand.u32 $0x4000, s31;
	s1 =	sadd.s32 s1, s30  }
0xc9: {  	s0 =	sor.u32 s3, s0;
	s1 =	sshll.u32 s1, $0x11  }
0xca: {  	s0 =	sor.u32 s1, s0  }
0xcb: {  	s0 =	sadd.s32 $0x8F2B, s0  }
0xcc: {  	[sflag:s0] =	ssyncadd.remote.s32 $0x1  }
0xcd: {  	_ =	sfence.sel $0xFFFF  }
0xce: {  	[dreg:$0x0] =	wrdreg $0xFFFFFFFF;
	(pc) =	sbr.abs _section_cstart, $3  }
0xcf: {  	[dreg:$0x1] =	wrdreg $0xFFFFFFFF  }
0xd0: {  	_ =	task.clear_ibuf [dreg:s13], $0x2FFFF;
	_ =	strace $0x9FFFFFFF  }
0xd1: {  	(tm) =	ssettm $0x7FFFFFFF  }
tec
execute0_lowered:
.L_overlay_start_1:
0x0: {  	(tag) =	ssettag $0x1  }
0x1: {  	s1 =	rddreg [dreg:$0x0]  }
0x2: {  	s0 =	rddreg [dreg:$0x1]  }
0x3: {  	s2 =	rddreg [dreg:$0x2]  }
0x4: {  	s5 =	rddreg [dreg:$0x3]  }
0x5: {  	s3 =	rddreg [dreg:$0x4]  }
0x6: {  	s4 =	rddreg [dreg:$0x5]  }
0x7: {  	s13 =	rddreg [dreg:$0x6]  }
0x8: {  	s15 =	rddreg [dreg:$0x7]  }
0x9: {  	s7 =	srdreg.scid;
	s8 =	stileid.u32;
	s6 =	simm.s32 $0x0  }
0xa: {  	s19 =	simm.s32 $0x80;
	s20 =	simm.s32 $0x6B00;
	s21 =	simm.s32 $0x8B00  }
0xb: {  	s22 =	simm.s32 $0x1;
	s23 =	simm.s32 $0x2;
	s24 =	simm.s32 $0x3  }
0xc: {  	s25 =	simm.s32 $0x4;
	s11 =	sand.u32 $0x1, s7;
	s30 =	sshll.u32 s8, $0x1  }
0xd: {  	s26 =	simm.s32 $0x5;
	s31 =	simm.s32 $0x0;
	s8 =	sor.u32 s11, s30  }
0xe: {  	[smem:$0x7FF] =	sst s6;
	s7 =	sadd.s32 $0xE00, s5;
	s8 =	smul.u32 $0x1900, s8  }
0xf: {  	s9 =	sadd.s32 $0x4000, s5;
	s10 =	sadd.s32 $0x7200, s5;
	s12 =	ssub.s32 $0x2, s11  }
0x10: {  	_ =	strace $0x80000047;
	s14 =	sshrl.u32 s12, $0x1;
	s16 =	sshrl.u32 s8, $0x3  }
0x11: {  	s11 =	sadd.s32 $0xA400, s5;
	s17 =	ssub.s32 s12, s14;
	s5 =	sadd.s32 s16, s5  }
0x12: {  	s12 =	sadd.s32 s1, s16;
	s13 =	sadd.s32 s13, s16;
	s15 =	sadd.s32 s15, s16  }
0x13: {  	s16 =	smax.u32 s17, $0x1;
	s17 =	simm.s32 $0x6;
	s14 =	sadd.s32 $0xB400, s5  }
.LBB2_1:
0x14: {  	[tilespmem:s6], [sflag:$0x6] =	stream.linear.gather [hbm4b:s12+s6], $0x1900, $0x38;
	[tilespmem:$0x11600] =	vst v63  }
0x15: {  	_ =	swait.ge [sflag:s17], $0x1900  }
0x16: {  	[sflag:s17] =	ssyncset.done $0x0  }
0x17: {  	s1 =	simm.s32 $0x1900;
	[sflag:s17] =	ssyncadd.s32 $0xFFFFE700  }
0x18: {  	[tilespmem:s1], [sflag:$0x6] =	stream.linear.gather [hbm4b:s11+s6], $0x3200, $0x38;
	[tilespmem:$0x11600] =	vst v63  }
0x19: {  	_ =	swait.ge [sflag:s17], $0x3200  }
0x1a: {  	[sflag:s17] =	ssyncset.done $0x0  }
0x1b: {  	s5 =	simm.s32 $0x4B00;
	[sflag:s17] =	ssyncadd.s32 $0xFFFFCE00  }
0x1c: {  	[tilespmem:s5], [sflag:$0x6] =	stream.linear.gather [hbm4b:s11+s6], $0x2000, $0x38;
	[tilespmem:$0x11600] =	vst v63  }
0x1d: {  	_ =	swait.ge [sflag:s17], $0x2000  }
0x1e: {  	[sflag:s17] =	ssyncset.done $0x0  }
0x1f: {  	s18 =	simm.s32 $0x0;
	s5 =	simm.s32 $0x0;
	[sflag:s17] =	ssyncadd.s32 $0xFFFFE000  }
.LBB2_2:
0x20: {  	s28 =	sshll.u32 s18, $0x7;
	s29 =	smulhi.u32 $0x51EB851F, s5  }
0x21: {  	[tilespmem:s20], [sflag:$0x1] =	stream.indirect.gather [hbm4b:s0+s19], $0x40, s28, s19, $0xb8;
	[tilespmem:$0x11600] =	vst v63  }
0x22: {  	s29 =	sshrl.u32 s29, $0x6  }
0x23: {  	[tilespmem:s21], [sflag:$0x2] =	stream.indirect.gather [hbm4b:s2+s19], $0x80, s28, s19, $0xb8;
	[tilespmem:$0x11600] =	vst v63  }
0x24: {  	s30 =	sadd.s32 $0xCB00, s28;
	s29 =	smul.u32 $0xFFFF3800, s29  }
0x25: {  	[tilespmem:s30], [sflag:$0x3] =	stream.indirect.gather [hbm4b:s7+s19], $0x1, s28, s19, $0xb8;
	[tilespmem:$0x11600] =	vst v63  }
0x26: {  	s29 =	sshra.s32 s29, $0x2  }
0x27: {  	s30 =	sadd.s32 $0xE400, s28;
	s29 =	sadd.s32 s29, s1  }
0x28: {  	[tilespmem:s30], [sflag:$0x4] =	stream.indirect.gather [hbm4b:s9+s19], $0x1, s28, s19, $0xb8;
	[tilespmem:$0x11600] =	vst v63  }
0x29: {  	s30 =	sadd.s32 $0xFD00, s28;
	v0 =	vmov s29  }
0x2a: {  	[tilespmem:s30], [sflag:$0x5] =	stream.indirect.gather [hbm4b:s10+s19], $0x1, s28, s19, $0xb8;
	[tilespmem:$0x11600] =	vst v63  }
0x2b: {  	_ =	swait.ge [sflag:s22], $0x2000  }
0x2c: {  	[sflag:s22] =	ssyncset.done $0x0  }
0x2d: {  	s29 =	simm.s32 $0x0;
	s30 =	simm.s32 $0x100;
	[sflag:s22] =	ssyncadd.s32 $0xFFFFE000  }
.LBB2_3:
0x2e: {  	p0 =	sne.s32 s30, $0x7F00;
	v1 =	vld.idx.msk [tilespmem:v0+s29+$0x0 ss:$0x1], $0xffff  }
0x2f: {  	v2 =	vld [tilespmem:s29+$0x6B00];
	_ =	sdelay $0x4  }
0x30: {  	v1 =	vadd.f32 v1, v2;
	_ =	sdelay $0x1  }
0x31: {  	[tilespmem:s29+$0x6B00] =	vst v1  }
0x32: {  	v1 =	vld.idx.msk [tilespmem:v0+s29+$0x10 ss:$0x1], $0xffff  }
0x33: {  	v2 =	vld [tilespmem:s29+$0x6B10];
	_ =	sdelay $0x4  }
0x34: {  	v1 =	vadd.f32 v1, v2;
	_ =	sdelay $0x1  }
0x35: {  	[tilespmem:s29+$0x6B10] =	vst v1  }
0x36: {  	v1 =	vld.idx.msk [tilespmem:v0+s29+$0x20 ss:$0x1], $0xffff  }
0x37: {  	v2 =	vld [tilespmem:s29+$0x6B20];
	_ =	sdelay $0x4  }
0x38: {  	v1 =	vadd.f32 v1, v2;
	_ =	sdelay $0x1  }
0x39: {  	[tilespmem:s29+$0x6B20] =	vst v1  }
0x3a: {  	v1 =	vld.idx.msk [tilespmem:v0+s29+$0x30 ss:$0x1], $0xffff  }
0x3b: {  	v2 =	vld [tilespmem:s29+$0x6B30];
	_ =	sdelay $0x2  }
.Ltmp0:
0x3c: {  	(pc) =	sbr.rel @p0 .LBB2_3-.Ltmp0, $3  }
0x3d: {  	_ = 	snop  }
0x3e: {  	v1 =	vadd.f32 v1, v2;
	_ =	sdelay $0x1  }
0x3f: {  	[tilespmem:s29+$0x6B30] =	vst v1;
	s29 =	sshra.s32 s30, $0x2;
	s30 =	sadd.s32 $0x100, s30  }
0x40: {  	_ =	sdelay $0x3  }
0x41: {  	v1 =	vld.idx.msk [tilespmem:v0+s29+$0x0 ss:$0x1], $0xffff  }
0x42: {  	v2 =	vld [tilespmem:s29+$0x6B00];
	_ =	sdelay $0x4  }
0x43: {  	v1 =	vadd.f32 v1, v2;
	_ =	sdelay $0x1  }
0x44: {  	v60 =	vld [tilespmem:s29+$0x6B10];
	[tilespmem:s29+$0x6B00] =	vst v1  }
0x45: {  	v1 =	vld.idx.msk [tilespmem:v0+s29+$0x10 ss:$0x1], $0xffff;
	_ =	sdelay $0x4  }
0x46: {  	v1 =	vadd.f32 v1, v60;
	_ =	sdelay $0x1  }
0x47: {  	v61 =	vld [tilespmem:s29+$0x6B20];
	[tilespmem:s29+$0x6B10] =	vst v1  }
0x48: {  	v1 =	vld.idx.msk [tilespmem:v0+s29+$0x20 ss:$0x1], $0xffff;
	_ =	sdelay $0x4  }
0x49: {  	v1 =	vadd.f32 v1, v61;
	_ =	sdelay $0x1  }
0x4a: {  	v63 =	vld [tilespmem:s29+$0x6B30];
	[tilespmem:s29+$0x6B20] =	vst v1  }
0x4b: {  	v62 =	vld.idx.msk [tilespmem:v0+s29+$0x30 ss:$0x1], $0xffff;
	_ =	sdelay $0x4  }
0x4c: {  	v0 =	vadd.f32 v62, v63;
	_ =	sdelay $0x1  }
0x4d: {  	[tilespmem:s29+$0x6B30] =	vst v0  }
0x4e: {  	_ =	swait.ge [sflag:s23], $0x4000  }
0x4f: {  	[sflag:s23] =	ssyncset.done $0x0  }
0x50: {  	[sflag:s23] =	ssyncadd.s32 $0xFFFFC000  }
0x51: {  	_ =	swait.ge [sflag:s24], $0x80  }
0x52: {  	[sflag:s24] =	ssyncset.done $0x0  }
0x53: {  	[sflag:s24] =	ssyncadd.s32 $0xFFFFFF80  }
0x54: {  	_ =	swait.ge [sflag:s25], $0x80  }
0x55: {  	[sflag:s25] =	ssyncset.done $0x0  }
0x56: {  	[sflag:s25] =	ssyncadd.s32 $0xFFFFFF80  }
0x57: {  	s28 =	sadd.s32 s8, s28;
	_ =	swait.ge [sflag:s26], $0x80  }
0x58: {  	s30 =	sshll.u32 s28, $0x3;
	[sflag:s26] =	ssyncset.done $0x0  }
0x59: {  	s29 =	sadd.s32 s3, s30;
	[sflag:s26] =	ssyncadd.s32 $0xFFFFFF80  }
0x5a: {  	[hbm4b:s29+s6] =	stream.linear.scatter [tilespmem:s20], [sflag:$0x6], $0x2000, $0x38;
	[tilespmem:$0x11600] =	vst v63  }
0x5b: {  	s18 =	sadd.s32 $0x1, s18;
	_ =	swait.ge [sflag:s17], $0x2000  }
0x5c: {  	s28 =	sshll.u32 s28, $0x4;
	p0 =	sne.s32 s18, $0x32;
	[sflag:s17] =	ssyncset.done $0x0  }
.Ltmp1:
0x5d: {  	s28 =	sadd.s32 s4, s28;
	[sflag:s17] =	ssyncadd.s32 $0xFFFFE000;
	(pc) =	sbr.rel @p0 .LBB2_2-.Ltmp1, $4  }
0x5e: {  	[hbm4b:s28+s6] =	stream.linear.scatter [tilespmem:s21], [sflag:$0x6], $0x4000, $0x38;
	[tilespmem:$0x11600] =	vst v63  }
0x5f: {  	_ =	swait.ge [sflag:s17], $0x4000  }
0x60: {  	[sflag:s17] =	ssyncset.done $0x0  }
0x61: {  	s1 =	sadd.s32 $0x2000, s1;
	s5 =	sadd.s32 $0x80, s5;
	[sflag:s17] =	ssyncadd.s32 $0xFFFFC000  }
0x62: {  	s1 =	simm.s32 $0xCB00  }
0x63: {  	[hbm4b:s13+s6] =	stream.linear.scatter [tilespmem:s1], [sflag:$0x6], $0x1900, $0x38;
	[tilespmem:$0x11600] =	vst v63  }
0x64: {  	_ =	swait.ge [sflag:s17], $0x1900  }
0x65: {  	[sflag:s17] =	ssyncset.done $0x0  }
0x66: {  	s29 =	simm.s32 $0xE400;
	[sflag:s17] =	ssyncadd.s32 $0xFFFFE700  }
0x67: {  	[hbm4b:s14+s6] =	stream.linear.scatter [tilespmem:s29], [sflag:$0x6], $0x1900, $0x38;
	[tilespmem:$0x11600] =	vst v63  }
0x68: {  	s31 =	sadd.s32 $0x1, s31;
	_ =	swait.ge [sflag:s17], $0x1900  }
0x69: {  	p0 =	sne.s32 s31, s16;
	[sflag:s17] =	ssyncset.done $0x0  }
.Ltmp2:
0x6a: {  	s30 =	simm.s32 $0xFD00;
	[sflag:s17] =	ssyncadd.s32 $0xFFFFE700;
	(pc) =	sbr.rel @p0 .LBB2_1-.Ltmp2, $4  }
0x6b: {  	[hbm4b:s15+s6] =	stream.linear.scatter [tilespmem:s30], [sflag:$0x6], $0x1900, $0x38;
	[tilespmem:$0x11600] =	vst v63  }
0x6c: {  	_ =	swait.ge [sflag:s17], $0x1900  }
0x6d: {  	[sflag:s17] =	ssyncset.done $0x0  }
0x6e: {  	[sflag:s17] =	ssyncadd.s32 $0xFFFFE700  }
0x6f: {  	_ =	sfence.sel $0x180000  }
0x70: {  	[bflag:$0x0] =	sbarrier.arrive $0xFFFF  }
0x71: {  	_ =	strace $0x90000047  }
0x72: {  	s0 =	stileid.u32;
	[bflag:$0x2] =	sbarrier.arrive $0xFFFF  }
0x73: {  	p0 =	sne.s32 s0, $0x0;
	s0 =	rddreg [dreg:$0x8]  }
0x74: {  	s0 =	sadd.s32 @!p0 $0x100000, s0  }
0x75: {  	[sflag:s0] =	ssyncadd.tile.s32 @!p0 $0x1;
	_ =	shalt  }
.Lfunc_end2:
_tile_overlayer_lowered:
.L_overlay_start_2:
0x76: {  	(tag) =	ssettag $0x2  }
0x77: {  	s0 =	rddreg [dreg:$0x0];
	s2 =	stileid.u32  }
0x78: {  	s1 =	rddreg [dreg:$0x1];
	p0 =	sne.s32 s2, $0x0  }
0x79: {  	s3 =	rddreg [dreg:$0x2];
	[bflag:$0x3] =	sbarrier.arrive $0xFFFF;
	s2 =	simm.s32 @!p0 $0x1C06  }
0x7a: {  	[timem:s3], [sflag:s2] =	dma.local @!p0 [hbm:s0], s1  }
0x7b: {  	s0 =	simm.s32 @!p0 $0x6  }
0x7c: {  	_ =	swait.ge @!p0 [sflag:s0], s1  }
0x7d: {  	s1 =	ssub.s32 @!p0 $0x0, s1;
	[sflag:s0] =	ssyncset.done @!p0 $0x0  }
0x7e: {  	[sflag:s0] =	ssyncadd.s32 @!p0 s1  }
0x7f: {  	[bflag:$0x3] =	sbarrier.arrive $0xFFFF  }
0x80: {  	_ =	shalt  }

// kernel: sparse-core-data-format-call.cloned.1.call-start
scs
called_computation_lowered:
.L_overlay_start_0:
0x0: {  	s2 =	sld [smem:$0x3FD9]  }
0x1: {  	s3 =	sld [smem:$0x3FFE];
	_ =	sdelay $0x1  }
0x2: {  	s1 =	srdreg.scid  }
0x3: {  	s0 =	sand.u32 $0x1, s1  }
0x4: {  	s15 =	sshll.u32 s0, $0xA;
	s2 =	sadd.s32 s3, s2  }
0x5: {  	s2 =	sadd.s32 s2, s15  }
0x6: {  	[smem:$0x3FC1] =	sst s2  }
0x7: {  	_ = 	snop  }
0x8: {  	s2 =	sld [smem:$0x3FD0];
	_ =	sdelay $0x2  }
0x9: {  	s16 =	simm.s32 $0xA;
	s4 =	simm.s32 $0x10  }
0xa: {  	[smem:s4], [sflag:s16] =	dma.local [hbm:s2], $0x1  }
0xb: {  	_ =	swait.eq [sflag:s16], $0x1  }
0xc: {  	[sflag:s16] =	ssyncset.done $0x0  }
0xd: {  	[sflag:s16] =	ssyncadd.s32 $0xFFFFFFFF  }
0xe: {  	s17 =	sld [smem:$0x11];
	(tm) =	ssettm $0x1  }
0xf: {  	s18 =	sld [smem:$0x3FFB];
	_ =	sdelay $0x3  }
0x10: {  	_ =	strace s18  }
0x11: {  	s3 =	sld [smem:$0x3FFC];
	_ =	sdelay $0x3  }
0x12: {  	_ =	strace s3  }
0x13: {  	s3 =	sld [smem:$0x3FFD];
	_ =	sdelay $0x3  }
0x14: {  	_ =	strace s3  }
0x15: {  	_ =	strace $0x8FFFFFFF  }
0x16: {  	s19 =	sld [smem:$0x3FDB];
	_ =	sdelay $0x1  }
0x17: {  	s20 =	simm.s32 $_scs_section_size  }
0x18: {  	s5 =	simm.s32 $_size__tile_overlayer_lowered;
	s6 =	simm.s32 $_tile_overlayer_lowered  }
0x19: {  	s23 =	simm.s32 $0x1BFF;
	s22 =	sshll.u32 s6, $0x1;
	s3 =	sadd.s32 s20, s19  }
0x1a: {  	s7 =	simm.s32 $0x0;
	s21 =	sshll.u32 s5, $0x1;
	s5 =	sadd.s32 s22, s3  }
0x1b: {  	[timem:s7], [sflag:s23] =	dma.local [hbm:s5], s21  }
0x1c: {  	_ =	swait.ge [sflag:s23], s21  }
0x1d: {  	s4 =	ssub.s32 $0x0, s21;
	[sflag:s23] =	ssyncset.done $0x0  }
0x1e: {  	[sflag:s23] =	ssyncadd.s32 s4;
	_ =	sdelay $0x1  }
0x1f: {  	s24 =	simm.s32 $0x1B8B  }
0x20: {  	_ =	swait.ge [sflag:s24], $0x1  }
0x21: {  	[sflag:s24] =	ssyncset.done $0x0  }
0x22: {  	s26 =	simm.s32 $0x1B8E;
	s25 =	sld [smem:$0x3FFE];
	[sflag:s24] =	ssyncadd.s32 $0xFFFFFFFF  }
0x23: {  	s27 =	simm.s32 $execute0_lowered;
	[smem:$0x3FD2] =	sst s26  }
0x24: {  	s5 =	sshll.u32 s27, $0x1;
	_ =	strace $0x80000049;
	[dreg:$0x1] =	wrdreg $0xFFFFFFFF  }
0x25: {  	s28 =	simm.s32 $_size_execute0_lowered;
	s3 =	sadd.s32 s3, s5;
	[dreg:$0x0] =	wrdreg $0x0  }
0x26: {  	s5 =	sshll.u32 s28, $0x1;
	[dreg:$0x2] =	wrdreg s3  }
0x27: {  	[dreg:$0x3] =	wrdreg s5  }
0x28: {  	[dreg:$0x4] =	wrdreg $0xC0  }
0x29: {  	_ =	task [dreg:s7], $0x5FFFF  }
0x2a: {  	[dreg:$0x1] =	wrdreg $0xFFFFFFFF  }
0x2b: {  	[dreg:$0x0] =	wrdreg $0x60  }
0x2c: {  	[dreg:$0x2] =	wrdreg s25  }
0x2d: {  	[dreg:$0x3] =	wrdreg s17  }
0x2e: {  	[dreg:$0x4] =	wrdreg $0x9  }
0x2f: {  	_ =	task.clear_ibuf [dreg:s7], $0x5FFFF;
	_ =	strace $0x90000049  }
0x30: {  	s29 =	simm.s32 $0x9;
	_ =	strace $0x8000004B  }
0x31: {  	_ =	swait.ge [sflag:s29], $0x1  }
0x32: {  	[sflag:s29] =	ssyncadd.s32 $0xFFFFFFFF  }
0x33: {  	_ =	strace $0x9000004B  }
0x34: {  	_ =	sfence  }
0x35: {  	s30 =	sld [smem:$0x0];
	_ =	sdelay $0x2  }
0x36: {  	s31 =	sshll.u32 s1, $0xD;
	s1 =	sshrl.u32 s1, $0x2  }
0x37: {  	s3 =	sand.u32 $0x4000, s31;
	s1 =	sadd.s32 s1, s30  }
0x38: {  	s0 =	sor.u32 s3, s0;
	s1 =	sshll.u32 s1, $0x11  }
0x39: {  	s0 =	sor.u32 s1, s0  }
0x3a: {  	s0 =	sadd.s32 $0x8F2B, s0  }
0x3b: {  	[sflag:s0] =	ssyncadd.remote.s32 $0x1  }
0x3c: {  	_ =	sfence.sel $0xFFFF  }
0x3d: {  	[dreg:$0x0] =	wrdreg $0xFFFFFFFF;
	(pc) =	sbr.abs _section_cstart, $3  }
0x3e: {  	[dreg:$0x1] =	wrdreg $0xFFFFFFFF  }
0x3f: {  	_ =	task.clear_ibuf [dreg:s7], $0x2FFFF;
	_ =	strace $0x9FFFFFFF  }
0x40: {  	(tm) =	ssettm $0x7FFFFFFF  }
0x41: {  	_ =	shalt  }
tec
execute0_lowered:
.L_overlay_start_1:
0x0: {  	(tag) =	ssettag $0x1  }
0x1: {  	s0 =	stileid.u32;
	s6 =	rddreg [dreg:$0x0]  }
0x2: {  	s2 =	rddreg [dreg:$0x1];
	s5 =	srdreg.scid  }
0x3: {  	s31 =	simm.s32 $0x2;
	s13 =	simm.s32 $0x0;
	s1 =	sshll.u32 s0, $0x7  }
0x4: {  	s14 =	simm.s32 $0x0;
	s12 =	simm.s32 $0x0;
	s3 =	sand.u32 $0x380, s1  }
0x5: {  	s5 =	sshll.u32 s5, $0x4;
	s6 =	sadd.s32 $0x11800, s6;
	s4 =	ssub.s32 $0x400, s3  }
0x6: {  	s1 =	rddreg [dreg:$0x2];
	_ =	strace $0x8000004A;
	s7 =	sand.u32 $0x380, s4  }
0x7: {  	s5 =	sand.u32 $0x10, s5;
	p0 =	sne.s32 s7, $0x0;
	s7 =	simm.s32 $0x1  }
.Ltmp0:
0x8: {  	s8 =	sshrl.u32 s4, $0xA;
	s7 =	simm.s32 @!p0 $0x0;
	(pc) =	sbr.rel .LBB1_1-.Ltmp0, $4  }
0x9: {  	s9 =	sor.u32 s0, s5;
	s4 =	simm.s32 $0x1;
	s30 =	sadd.s32 s7, s8  }
0xa: {  	s11 =	smov.u32 s3;
	[sflag:s4] =	ssyncpa.u1 $0x0;
	s5 =	smul.u32 $0x32, s30  }
0xb: {  	[sflag:s31] =	ssyncpa.u1 $0x0;
	p0 =	por $0x0, $0x0;
	s7 =	sshrl.u32 s9, $0x3  }
0xc: {  	s9 =	simm.s32 $0x2000;
	s10 =	smov.u32 s7;
	s8 =	sor.u32 $0x1, s5  }
.LBB1_4:
0xd: {  	s17 =	sand.u32 $0x1F80, s14;
	s13 =	sshll.u32 s13, $0xD  }
0xe: {  	[tilespmem:s16+$0x810 ss:$0x81] =	vst.msk $0xffff, v2;
	s18 =	sshrl.u32 s14, $0x3;
	s31 =	sand.u32 $0x7, s14;
	s17 =	sadd.s32 s2, s17  }
0xf: {  	[tilespmem:s16+$0x1020 ss:$0x81] =	vst.msk $0xffff, v0;
	s18 =	sand.u32 $0xF, s18;
	s14 =	sshll.u32 s31, $0x12;
	s13 =	sadd.s32 s13, s17  }
0x10: {  	[tilespmem:s16+$0x0 ss:$0x81] =	vst.msk $0xffff, v1;
	s14 =	sor.u32 $0x400, s14;
	s13 =	sadd.s32 s18, s13  }
0x11: {  	[hbm4b:s13+s14] =	stream.strided.scatter [tilespmem:s15], [sflag:$0x2], $0x2000, s9, s14, $0x20;
	[tilespmem:$0x8080] =	vst v63  }
.LBB1_5:
0x12: {  	s15 =	sadd.s32 $0x4, s10  }
0x13: {  	s13 =	sadd.s32 $0x400, s11;
	s17 =	smov.u32 s11;
	p2 =	sgt.s32 s15, $0xC7  }
0x14: {  	s17 =	smov.u32 @p2 s13  }
0x15: {  	s15 =	smov.u32 @p2 s7;
	p2 =	sgt.s32 s17, $0x3FF  }
0x16: {  	s17 =	smov.u32 @p2 s3;
	p2 =	sne.s32 s12, s8  }
.Ltmp1:
0x17: {  	p1 =	slt.u32 s12, $0x2;
	(pc) =	sbr.rel @!p2 .LBB1_6-.Ltmp1, $4  }
0x18: {  	s16 =	simm.s32 @!p1 $0x2  }
0x19: {  	s14 =	smov.u32 s11;
	p0 =	por !p0, !p0;
	_ =	swait.ge @!p1 [sflag:s16], $0x2000  }
0x1a: {  	s13 =	smov.u32 s10;
	[sflag:s16] =	ssyncset.done @!p1 $0x0;
	s10 =	smov.u32 s15  }
0x1b: {  	s12 =	sadd.s32 $0x1, s12;
	[sflag:s16] =	ssyncadd.s32 @!p1 $0xFFFFE000;
	s11 =	smov.u32 s17  }
.LBB1_1:
0x1c: {  	p1 =	sge.u32 s12, s5  }
0x1d: {  	s15 =	sand.u32 @!p1 $0x1FFFFFF, s10  }
0x1e: {  	s16 =	smulhi.u32 @!p1 $0x147AE15, s15;
	_ =	sdelay $0x1  }
0x1f: {  	s16 =	smul.u32 @!p1 $0xC8, s16  }
0x20: {  	s17 =	sxor.u32 @!p1 $0xFFFFFFFF, s12;
	s18 =	smul.u32 @!p1 $0xC80, s11  }
0x21: {  	s31 =	sadd.s32 $0xFFFFFFFF, s12;
	s17 =	sshll.u32 @!p1 s17, $0xD;
	s15 =	ssub.s32 @!p1 s15, s16  }
0x22: {  	s16 =	sand.u32 @!p1 $0x2000, s17;
	s17 =	sadd.s32 @!p1 s6, s18;
	s15 =	sshll.u32 @!p1 s15, $0x4  }
0x23: {  	s18 =	simm.s32 @!p1 $0x6400;
	s15 =	sadd.s32 @!p1 s15, s17;
	s17 =	simm.s32 @!p1 $0x40  }
0x24: {  	[tilespmem:s16], [sflag:$0x1] =	stream.strided.gather @!p1 [hbm4b:s15+s17], $0x2000, s18, s17, $0x38;
	[tilespmem:$0x8080] =	vst v63  }
0x25: {  	p1 =	sge.u32 s31, s5  }
.Ltmp2:
0x26: {  	_ = 	snop;
	(pc) =	sbr.rel @p1 .LBB1_5-.Ltmp2, $1  }
0x27: {  	_ =	sdelay $0x3  }
0x28: {  	s15 =	simm.s32 $0x1  }
0x29: {  	_ =	swait.ge [sflag:s4], $0x2000;
	s15 =	simm.s32 @!p0 $0x0  }
0x2a: {  	[sflag:s4] =	ssyncset.done $0x0;
	s16 =	sshll.u32 s15, $0xD  }
0x2b: {  	[sflag:s4] =	ssyncadd.s32 $0xFFFFE000;
	s19 =	sor.u32 $0x20, s16  }
0x2c: {  	s15 =	smul.u32 $0x8100, s15;
	v3 =	vld [tilespmem:s19+$0x10]  }
0x2d: {  	s30 =	sand.u32 $0x1, s12;
	v2 =	vld [tilespmem:s19+$0xFFFFFFF0]  }
0x2e: {  	s16 =	smul.u32 $0x8100, s30;
	s15 =	sshrl.u32 s15, $0x2;
	v0 =	vld [tilespmem:s19+$0x0]  }
0x2f: {  	v1 =	vld [tilespmem:s19+$0xFFFFFFE0];
	s17 =	sor.u32 $0x4000, s15  }
0x30: {  	s31 =	sshrl.u32 s16, $0x2;
	s16 =	sadd.s32 $0x0, s17  }
0x31: {  	s18 =	simm.s32 $0x4;
	s19 =	sadd.s32 $0x40, s19;
	s15 =	sor.u32 $0x4000, s31;
	[tilespmem:s16+$0x1830 ss:$0x81] =	vst.msk $0xffff, v3  }
.LBB1_3:
0x32: {  	v3 =	vld [tilespmem:s19+$0x10];
	p1 =	sne.s32 s18, $0x1FC;
	[tilespmem:s16+$0x810 ss:$0x81] =	vst.msk $0xffff, v2;
	s20 =	smov.u32 s18;
	s18 =	sadd.s32 $0x4, s18  }
.Ltmp3:
0x33: {  	v2 =	vld [tilespmem:s19+$0xFFFFFFF0];
	[tilespmem:s16+$0x1020 ss:$0x81] =	vst.msk $0xffff, v0;
	(pc) =	sbr.rel @p1 .LBB1_3-.Ltmp3, $4  }
0x34: {  	v0 =	vld [tilespmem:s19+$0x0];
	[tilespmem:s16+$0x0 ss:$0x81] =	vst.msk $0xffff, v1  }
0x35: {  	s16 =	sshra.s32 s20, $0x2;
	v1 =	vld [tilespmem:s19+$0xFFFFFFE0]  }
0x36: {  	s16 =	sadd.s32 s16, s17  }
0x37: {  	s19 =	sadd.s32 $0x40, s19;
	[tilespmem:s16+$0x1830 ss:$0x81] =	vst.msk $0xffff, v3  }
.Ltmp4:
0x38: {  	_ = 	snop;
	(pc) =	sbr.rel .LBB1_4-.Ltmp4, $1  }
0x39: {  	_ =	sdelay $0x3  }
.LBB1_6:
0x3a: {  	_ =	sfence.sel $0x180000  }
0x3b: {  	s2 =	simm.s32 $0x1;
	[bflag:$0x0] =	sbarrier.arrive $0xFFFF  }
0x3c: {  	s31 =	simm.s32 $0x2;
	[sflag:s2] =	ssyncpa.u1 $0x1  }
0x3d: {  	[sflag:s31] =	ssyncpa.u1 $0x1  }
0x3e: {  	p0 =	sne.s32 s0, $0x0;
	_ =	strace $0x9000004A  }
0x3f: {  	s0 =	sadd.s32 @!p0 $0x100000, s1;
	[bflag:$0x2] =	sbarrier.arrive $0xFFFF  }
0x40: {  	[sflag:s0] =	ssyncadd.tile.s32 @!p0 $0x1;
	_ =	shalt  }
.Lfunc_end1:
_tile_overlayer_lowered:
.L_overlay_start_2:
0x41: {  	(tag) =	ssettag $0x2  }
0x42: {  	s0 =	rddreg [dreg:$0x0];
	s2 =	stileid.u32  }
0x43: {  	s1 =	rddreg [dreg:$0x1];
	p0 =	sne.s32 s2, $0x0  }
0x44: {  	s3 =	rddreg [dreg:$0x2];
	[bflag:$0x3] =	sbarrier.arrive $0xFFFF;
	s2 =	simm.s32 @!p0 $0x1C01  }
0x45: {  	[timem:s3], [sflag:s2] =	dma.local @!p0 [hbm:s0], s1  }
0x46: {  	s0 =	simm.s32 @!p0 $0x1  }
0x47: {  	_ =	swait.ge @!p0 [sflag:s0], s1  }
0x48: {  	s1 =	ssub.s32 @!p0 $0x0, s1;
	[sflag:s0] =	ssyncset.done @!p0 $0x0  }
0x49: {  	[sflag:s0] =	ssyncadd.s32 @!p0 s1  }
0x4a: {  	[bflag:$0x3] =	sbarrier.arrive $0xFFFF  }
0x4b: {  	_ =	shalt  }

</sc_bundles>
